<compile_context>
chip_gen: v7x
topology: tpu7x:2x2x1
jax: 0.10.2.dev20260603
libtpu: 0.0.44.dev20260713+nightly
codegen_flags: <defaults>
</compile_context>

<pallas_src>
import functools

import jax
import jax.numpy as jnp
from jax import lax
from jax.experimental import pallas as pl
from jax.experimental.pallas import tpu as pltpu
from jax.experimental.pallas import tpu_sc as plsc

N_LUT = 100000
N_CQ = 5000
DIM_ = 256
B_ = 1024
MOM = 0.5
SCAL = 30.0
LOG2E = 1.4426950408889634
LN2 = 0.6931471805599453

R_ = 5120
NBLK = (N_LUT + R_ - 1) // R_
LUT_LAST = N_LUT - (NBLK - 1) * R_
CQBLK = (N_CQ + R_ - 1) // R_
CQ_LAST = N_CQ - (CQBLK - 1) * R_
GRID = NBLK + CQBLK


def _mm_body(emb_ref, lut_ref, cq_ref, g_ref, out_ref, upd_ref,
             loss_ref, m_ref, s_ref, ebf_ref, cp_sem):
    i = pl.program_id(0)

    @pl.when(i == 0)
    def _prep():
        ebf_ref[...] = (emb_ref[...] * (SCAL * LOG2E)).astype(jnp.bfloat16)

    def _accum(blk, valid, first=False):
        logits = lax.dot_general(
            ebf_ref[...], blk.astype(jnp.bfloat16), (((1,), (1,)), ((), ())),
            preferred_element_type=jnp.float32)
        if valid is not None:
            col = lax.broadcasted_iota(jnp.int32, (B_, R_), 1)
            logits = jnp.where(col < valid, logits, -jnp.inf)
        if first:
            m_ref[...] = jnp.max(logits, axis=1, keepdims=True) + 40.0
            s_ref[...] = jnp.zeros((B_, 1), jnp.float32)
        s_ref[...] += jnp.sum(jnp.exp2(logits - m_ref[...]), axis=1,
                              keepdims=True)

    copy_dma = pltpu.make_async_copy(lut_ref, out_ref, cp_sem)

    @pl.when(i < NBLK)
    def _copy_start():
        copy_dma.start()

    @pl.when(i == 0)
    def _first_block():
        _accum(lut_ref[...], None, first=True)

    @pl.when(jnp.logical_and(i > 0, i < NBLK - 1))
    def _lut_full():
        _accum(lut_ref[...], None)

    @pl.when(i == NBLK - 1)
    def _lut_partial():
        _accum(lut_ref[...], LUT_LAST)

    @pl.when(jnp.logical_and(i >= NBLK, i < GRID - 1))
    def _cq_full():
        _accum(cq_ref[...], None)

    @pl.when(i == GRID - 1)
    def _cq_partial():
        _accum(cq_ref[...], CQ_LAST)

    @pl.when(i == GRID - 1)
    def _finalize():
        g = g_ref[...]
        emb = emb_ref[...]
        lse = LN2 * m_ref[...] + jnp.log(s_ref[...])
        rowdot = jnp.sum(emb * g, axis=1, keepdims=True)
        loss_ref[0, 0] = jnp.sum(lse - SCAL * rowdot) / B_
        u = MOM * g + (1.0 - MOM) * emb
        norm = jnp.sqrt(jnp.sum(u * u, axis=1, keepdims=True))
        upd_ref[...] = u / jnp.maximum(norm, 1e-12)

    @pl.when(i < NBLK)
    def _copy_drain():
        copy_dma.wait()


_mm_call = pl.pallas_call(
    _mm_body,
    grid=(GRID,),
    in_specs=[
        pl.BlockSpec((B_, DIM_), lambda i: (0, 0)),
        pl.BlockSpec((R_, DIM_), lambda i: (jnp.minimum(i, NBLK - 1), 0)),
        pl.BlockSpec((R_, DIM_),
                     lambda i: (jnp.clip(i - NBLK, 0, CQBLK - 1), 0)),
        pl.BlockSpec((B_, DIM_), lambda i: (0, 0)),
    ],
    out_specs=[
        pl.BlockSpec((R_, DIM_), lambda i: (jnp.minimum(i, NBLK - 1), 0)),
        pl.BlockSpec((B_, DIM_), lambda i: (0, 0)),
        pl.BlockSpec(memory_space=pltpu.SMEM),
    ],
    out_shape=[
        jax.ShapeDtypeStruct((N_LUT, DIM_), jnp.float32),
        jax.ShapeDtypeStruct((B_, DIM_), jnp.float32),
        jax.ShapeDtypeStruct((1, 1), jnp.float32),
    ],
    scratch_shapes=[
        pltpu.VMEM((B_, 1), jnp.float32),
        pltpu.VMEM((B_, 1), jnp.float32),
        pltpu.VMEM((B_, DIM_), jnp.bfloat16),
        pltpu.SemaphoreType.DMA,
    ],
    compiler_params=pltpu.CompilerParams(
        dimension_semantics=("arbitrary",),
        vmem_limit_bytes=110 * 1024 * 1024,
    ),
)


NCORES = 2
NSUB = 16
NW = NCORES * NSUB
BPW = B_ // NW


@functools.cache
def _sc_kernels():
    mesh = plsc.VectorSubcoreMesh(
        core_axis_name="c", subcore_axis_name="s",
        num_cores=NCORES, num_subcores=NSUB)

    @functools.partial(
        pl.kernel,
        out_type=jax.ShapeDtypeStruct((B_, DIM_), jnp.float32),
        mesh=mesh,
        scratch_types=[
            pltpu.VMEM((BPW,), jnp.int32),
            pltpu.VMEM((BPW, DIM_), jnp.float32),
            pltpu.SemaphoreType.DMA,
        ],
    )
    def sc_gather(lut_hbm, idx_hbm, out_hbm, idx_v, rows_v, sem):
        wid = lax.axis_index("s") * NCORES + lax.axis_index("c")
        base = wid * BPW
        pltpu.sync_copy(idx_hbm.at[pl.ds(base, BPW)], idx_v)
        pltpu.async_copy(lut_hbm.at[idx_v], rows_v, sem).wait()
        pltpu.sync_copy(rows_v, out_hbm.at[pl.ds(base, BPW)])

    @functools.partial(
        pl.kernel,
        out_type=(),
        mesh=mesh,
        scratch_types=[
            pltpu.VMEM((BPW,), jnp.int32),
            pltpu.VMEM((BPW,), jnp.int32),
            pltpu.VMEM((BPW, DIM_), jnp.float32),
            pltpu.SemaphoreType.DMA,
        ],
    )
    def sc_scatter(upd_hbm, wsrc_hbm, pid_hbm, newlut_ref,
                   widx_v, pidx_v, rows_v, sem):
        wid = lax.axis_index("s") * NCORES + lax.axis_index("c")
        base = wid * BPW
        pltpu.sync_copy(wsrc_hbm.at[pl.ds(base, BPW)], widx_v)
        pltpu.sync_copy(pid_hbm.at[pl.ds(base, BPW)], pidx_v)
        pltpu.async_copy(upd_hbm.at[widx_v], rows_v, sem).wait()
        pltpu.async_copy(rows_v, newlut_ref.at[pidx_v], sem).wait()

    return sc_gather, sc_scatter


def _winner_permutation(pids):
    order = jnp.argsort(pids, stable=True)
    sp = pids[order]
    is_last = jnp.concatenate(
        [sp[1:] != sp[:-1], jnp.ones((1,), dtype=bool)])
    pos = jnp.where(is_last, jnp.arange(B_, dtype=jnp.int32), B_)
    wpos = jnp.flip(lax.cummin(jnp.flip(pos)))
    winner_sorted = order[wpos].astype(jnp.int32)
    return jnp.zeros((B_,), jnp.int32).at[order].set(winner_sorted)


def kernel(embeddings, pids, lut, cq):
    sc_gather, sc_scatter = _sc_kernels()
    pids = pids.astype(jnp.int32)
    winner_src = _winner_permutation(pids)
    gathered = sc_gather(lut, pids)
    new_lut0, updated, loss = _mm_call(embeddings, lut, cq, gathered)
    nl_ref = jax.new_ref(new_lut0)
    sc_scatter(updated, winner_src, pids, nl_ref)
    return loss[0, 0], jax.freeze(nl_ref)

# --- scband reference (transcript-rebuilt; emitter-appended) ---
"""Pipeline reference for scband-oim-60086592471157 (READ-ONLY COPY).

The authoritative reference and input builder live on the scoring server;
editing this copy changes nothing except your own understanding.
"""

import jax, jax.numpy as jnp
import numpy as np

NUM_PIDS = 100000
CQ_SIZE = 5000
DIM = 256
BATCH = 1024
MOMENTUM = 0.5
SCALAR = 30.0


def _l2norm(x, eps=1e-12):
    n = jnp.maximum(jnp.linalg.norm(x, axis=1, keepdims=True), eps)
    return x / n


def setup_inputs(seed: int = 0) -> dict:
    key = jax.random.key(seed)
    k1, k2, k3, k4 = jax.random.split(key, 4)
    embeddings = jax.random.normal(k1, (BATCH, DIM), dtype=jnp.float32)
    pids = jax.random.randint(k2, (BATCH,), 0, NUM_PIDS, dtype=jnp.int32)
    # OIM memory banks: labeled-identity lookup table (LUT) and circular queue (CQ).
    # Initialized to unit-norm rows (the module keeps them L2-normalized online).
    lut = _l2norm(jax.random.normal(k3, (NUM_PIDS, DIM), dtype=jnp.float32))
    cq = _l2norm(jax.random.normal(k4, (CQ_SIZE, DIM), dtype=jnp.float32))
    return {"embeddings": embeddings, "pids": pids, "lut": lut, "cq": cq}


def reference(embeddings, pids, lut, cq):
    # Online Instance Matching (OIM) loss.
    # 1) Similarity of each RoI embedding against all memory entries (LUT ++ CQ).
    mem = jnp.concatenate([lut, cq], axis=0)              # [NUM_PIDS + CQ_SIZE, DIM]
    logits = jnp.matmul(embeddings, mem.T) * SCALAR        # [B, NUM_PIDS + CQ_SIZE]
    # 2) Cross-entropy over labeled identities only (pids >= NUM_PIDS would be
    #    unlabeled / background and are ignored; here all pids are in-range).
    logp = jax.nn.log_softmax(logits, axis=1)
    labeled = pids < NUM_PIDS
    nll = -jnp.take_along_axis(logp, pids[:, None].astype(jnp.int32), axis=1)[:, 0]
    denom = jnp.maximum(jnp.sum(labeled.astype(jnp.float32)), 1.0)
    loss = jnp.sum(jnp.where(labeled, nll, 0.0)) / denom
    # 3) Scatter-memory update: momentum blend of LUT rows with current embeddings,
    #    re-normalized, written back at pid rows (scatter-overwrite).
    gathered = jnp.take(lut, pids, axis=0)                 # gather [B, DIM]
    updated = MOMENTUM * gathered + (1.0 - MOMENTUM) * embeddings
    updated = _l2norm(updated)
    new_lut = lut.at[pids].set(updated)                    # scatter-overwrite
    return loss, new_lut

if __name__ == "__main__":
    import jax
    _d = setup_inputs()
    print(jax.jit(kernel)(*tuple(_d.values())))

</pallas_src>

<mosaic_0001>
#map = affine_map<(d0, d1) -> (0, 0)>
#map1 = affine_map<(d0, d1) -> (0)>
module attributes {stable_mosaic.version = 14 : i64} {
  func.func @sc_gather(%arg0: i32, %arg1: i32, %arg2: memref<100000x256xf32, #tpu.memory_space<hbm>>, %arg3: memref<1024xi32, #tpu.memory_space<hbm>>, %arg4: memref<1024x256xf32, #tpu.memory_space<hbm>>, %arg5: memref<32xi32, #tpu.memory_space<vmem>>, %arg6: memref<32x256xf32, #tpu.memory_space<vmem>>, %arg7: memref<!tpu.dma_semaphore, #tpu.memory_space<semaphore_mem>>) attributes {dimension_semantics = [#tpu.dimension_semantics<core_parallel>, #tpu.dimension_semantics<subcore_parallel>], iteration_bounds = array<i64: 2, 16>, scalar_prefetch = 0 : i64, scratch_operands = 3 : i64, tpu.core_type = #tpu.core_type<sc_vector_subcore>, window_params = [{transform_indices = #map}, {transform_indices = #map1}, {transform_indices = #map}]} {
    %mul3A = arith.constant 2 : i32
    %mul3A_0 = arith.muli %arg1, %mul3A : i32
    %add3A = arith.addi %mul3A_0, %arg0 : i32
    %mul3A_1 = arith.constant 32 : i32
    %mul3A_2 = arith.muli %add3A, %mul3A_1 : i32
    "tpu.region"() ({
      %run_scoped3A = tpu.sem_alloc : memref<!tpu.dma_semaphore, #tpu.memory_space<semaphore_mem>>
      %dma_start3A_7 = tpu.memref_slice %arg3[%mul3A_2] : memref<1024xi32, #tpu.memory_space<hbm>> -> memref<32xi32, #tpu.memory_space<hbm>>
      %dma_start3A_8 = tpu.memref_slice %arg3[%mul3A_2] : memref<1024xi32, #tpu.memory_space<hbm>> -> memref<32xi32, #tpu.memory_space<hbm>>
      tpu.enqueue_dma source(%dma_start3A_8 : memref<32xi32, #tpu.memory_space<hbm>>) target(%arg5 : memref<32xi32, #tpu.memory_space<vmem>>) target_semaphore(%run_scoped3A : memref<!tpu.dma_semaphore, #tpu.memory_space<semaphore_mem>>)
      %dma_wait3A_9 = tpu.memref_slice %arg3[%mul3A_2] : memref<1024xi32, #tpu.memory_space<hbm>> -> memref<32xi32, #tpu.memory_space<hbm>>
      %dma_wait3A_10 = tpu.memref_slice %arg3[%mul3A_2] : memref<1024xi32, #tpu.memory_space<hbm>> -> memref<32xi32, #tpu.memory_space<hbm>>
      tpu.wait_dma2 semaphore(%run_scoped3A : memref<!tpu.dma_semaphore, #tpu.memory_space<semaphore_mem>>) src(%dma_wait3A_10 : memref<32xi32, #tpu.memory_space<hbm>>) dst(%arg5 : memref<32xi32, #tpu.memory_space<vmem>>)
      tpu.yield
    }) : () -> ()
    %dma_start3A = arith.constant 0 : i32
    %dma_start3A_3 = arith.constant 0 : i32
    %dma_start3A_4 = tpu.memref_slice %arg2[%dma_start3A, %dma_start3A_3] : memref<100000x256xf32, #tpu.memory_space<hbm>> -> memref<100000x256xf32, #tpu.memory_space<hbm>>
    tpu.enqueue_indirect_dma source(%dma_start3A_4 : memref<100000x256xf32, #tpu.memory_space<hbm>>) target(%arg6 : memref<32x256xf32, #tpu.memory_space<vmem>>) offsets(%arg5 : memref<32xi32, #tpu.memory_space<vmem>>) semaphore(%arg7 : memref<!tpu.dma_semaphore, #tpu.memory_space<semaphore_mem>>)
    %dma_wait3A = arith.constant 0 : i32
    %dma_wait3A_5 = arith.constant 0 : i32
    %dma_wait3A_6 = tpu.memref_slice %arg2[%dma_wait3A, %dma_wait3A_5] : memref<100000x256xf32, #tpu.memory_space<hbm>> -> memref<100000x256xf32, #tpu.memory_space<hbm>>
    tpu.wait_indirect_dma semaphore(%arg7 : memref<!tpu.dma_semaphore, #tpu.memory_space<semaphore_mem>>) src(%dma_wait3A_6 : memref<100000x256xf32, #tpu.memory_space<hbm>>) dst(%arg6 : memref<32x256xf32, #tpu.memory_space<vmem>>)
    "tpu.region"() ({
      %run_scoped3A = tpu.sem_alloc : memref<!tpu.dma_semaphore, #tpu.memory_space<semaphore_mem>>
      %dma_start3A_7 = arith.constant 0 : i32
      %dma_start3A_8 = tpu.memref_slice %arg4[%mul3A_2, %dma_start3A_7] : memref<1024x256xf32, #tpu.memory_space<hbm>> -> memref<32x256xf32, #tpu.memory_space<hbm>>
      %dma_start3A_9 = arith.constant 0 : i32
      %dma_start3A_10 = tpu.memref_slice %arg4[%mul3A_2, %dma_start3A_9] : memref<1024x256xf32, #tpu.memory_space<hbm>> -> memref<32x256xf32, #tpu.memory_space<hbm>>
      tpu.enqueue_dma source(%arg6 : memref<32x256xf32, #tpu.memory_space<vmem>>) target(%dma_start3A_10 : memref<32x256xf32, #tpu.memory_space<hbm>>) target_semaphore(%run_scoped3A : memref<!tpu.dma_semaphore, #tpu.memory_space<semaphore_mem>>)
      %dma_wait3A_11 = arith.constant 0 : i32
      %dma_wait3A_12 = tpu.memref_slice %arg4[%mul3A_2, %dma_wait3A_11] : memref<1024x256xf32, #tpu.memory_space<hbm>> -> memref<32x256xf32, #tpu.memory_space<hbm>>
      %dma_wait3A_13 = arith.constant 0 : i32
      %dma_wait3A_14 = tpu.memref_slice %arg4[%mul3A_2, %dma_wait3A_13] : memref<1024x256xf32, #tpu.memory_space<hbm>> -> memref<32x256xf32, #tpu.memory_space<hbm>>
      tpu.wait_dma2 semaphore(%run_scoped3A : memref<!tpu.dma_semaphore, #tpu.memory_space<semaphore_mem>>) src(%arg6 : memref<32x256xf32, #tpu.memory_space<vmem>>) dst(%dma_wait3A_14 : memref<32x256xf32, #tpu.memory_space<hbm>>)
      tpu.yield
    }) : () -> ()
    return
  }
}

#map = affine_map<(d0, d1) -> (0, 0)>
#map1 = affine_map<(d0, d1) -> (0)>
module attributes {stable_mosaic.version = 14 : i64} {
  func.func @new_body(%arg0: i32, %arg1: i32, %arg2: memref<1024x256xf32, #tpu.memory_space<hbm>>, %arg3: memref<1024xi32, #tpu.memory_space<hbm>>, %arg4: memref<1024xi32, #tpu.memory_space<hbm>>, %arg5: memref<100000x256xf32, #tpu.memory_space<hbm>>, %arg6: memref<100000x256xf32, #tpu.memory_space<hbm>>, %arg7: memref<32xi32, #tpu.memory_space<vmem>>, %arg8: memref<32xi32, #tpu.memory_space<vmem>>, %arg9: memref<32x256xf32, #tpu.memory_space<vmem>>, %arg10: memref<!tpu.dma_semaphore, #tpu.memory_space<semaphore_mem>>) attributes {dimension_semantics = [#tpu.dimension_semantics<core_parallel>, #tpu.dimension_semantics<subcore_parallel>], iteration_bounds = array<i64: 2, 16>, scalar_prefetch = 0 : i64, scratch_operands = 4 : i64, tpu.core_type = #tpu.core_type<sc_vector_subcore>, window_params = [{transform_indices = #map}, {transform_indices = #map1}, {transform_indices = #map1}, {transform_indices = #map}, {transform_indices = #map}]} {
    %mul3A = arith.constant 2 : i32
    %mul3A_0 = arith.muli %arg1, %mul3A : i32
    %add3A = arith.addi %mul3A_0, %arg0 : i32
    %mul3A_1 = arith.constant 32 : i32
    %mul3A_2 = arith.muli %add3A, %mul3A_1 : i32
    "tpu.region"() ({
      %run_scoped3A = tpu.sem_alloc : memref<!tpu.dma_semaphore, #tpu.memory_space<semaphore_mem>>
      %dma_start3A_13 = tpu.memref_slice %arg3[%mul3A_2] : memref<1024xi32, #tpu.memory_space<hbm>> -> memref<32xi32, #tpu.memory_space<hbm>>
      %dma_start3A_14 = tpu.memref_slice %arg3[%mul3A_2] : memref<1024xi32, #tpu.memory_space<hbm>> -> memref<32xi32, #tpu.memory_space<hbm>>
      tpu.enqueue_dma source(%dma_start3A_14 : memref<32xi32, #tpu.memory_space<hbm>>) target(%arg7 : memref<32xi32, #tpu.memory_space<vmem>>) target_semaphore(%run_scoped3A : memref<!tpu.dma_semaphore, #tpu.memory_space<semaphore_mem>>)
      %dma_wait3A_15 = tpu.memref_slice %arg3[%mul3A_2] : memref<1024xi32, #tpu.memory_space<hbm>> -> memref<32xi32, #tpu.memory_space<hbm>>
      %dma_wait3A_16 = tpu.memref_slice %arg3[%mul3A_2] : memref<1024xi32, #tpu.memory_space<hbm>> -> memref<32xi32, #tpu.memory_space<hbm>>
      tpu.wait_dma2 semaphore(%run_scoped3A : memref<!tpu.dma_semaphore, #tpu.memory_space<semaphore_mem>>) src(%dma_wait3A_16 : memref<32xi32, #tpu.memory_space<hbm>>) dst(%arg7 : memref<32xi32, #tpu.memory_space<vmem>>)
      tpu.yield
    }) : () -> ()
    "tpu.region"() ({
      %run_scoped3A = tpu.sem_alloc : memref<!tpu.dma_semaphore, #tpu.memory_space<semaphore_mem>>
      %dma_start3A_13 = tpu.memref_slice %arg4[%mul3A_2] : memref<1024xi32, #tpu.memory_space<hbm>> -> memref<32xi32, #tpu.memory_space<hbm>>
      %dma_start3A_14 = tpu.memref_slice %arg4[%mul3A_2] : memref<1024xi32, #tpu.memory_space<hbm>> -> memref<32xi32, #tpu.memory_space<hbm>>
      tpu.enqueue_dma source(%dma_start3A_14 : memref<32xi32, #tpu.memory_space<hbm>>) target(%arg8 : memref<32xi32, #tpu.memory_space<vmem>>) target_semaphore(%run_scoped3A : memref<!tpu.dma_semaphore, #tpu.memory_space<semaphore_mem>>)
      %dma_wait3A_15 = tpu.memref_slice %arg4[%mul3A_2] : memref<1024xi32, #tpu.memory_space<hbm>> -> memref<32xi32, #tpu.memory_space<hbm>>
      %dma_wait3A_16 = tpu.memref_slice %arg4[%mul3A_2] : memref<1024xi32, #tpu.memory_space<hbm>> -> memref<32xi32, #tpu.memory_space<hbm>>
      tpu.wait_dma2 semaphore(%run_scoped3A : memref<!tpu.dma_semaphore, #tpu.memory_space<semaphore_mem>>) src(%dma_wait3A_16 : memref<32xi32, #tpu.memory_space<hbm>>) dst(%arg8 : memref<32xi32, #tpu.memory_space<vmem>>)
      tpu.yield
    }) : () -> ()
    %dma_start3A = arith.constant 0 : i32
    %dma_start3A_3 = arith.constant 0 : i32
    %dma_start3A_4 = tpu.memref_slice %arg2[%dma_start3A, %dma_start3A_3] : memref<1024x256xf32, #tpu.memory_space<hbm>> -> memref<1024x256xf32, #tpu.memory_space<hbm>>
    tpu.enqueue_indirect_dma source(%dma_start3A_4 : memref<1024x256xf32, #tpu.memory_space<hbm>>) target(%arg9 : memref<32x256xf32, #tpu.memory_space<vmem>>) offsets(%arg7 : memref<32xi32, #tpu.memory_space<vmem>>) semaphore(%arg10 : memref<!tpu.dma_semaphore, #tpu.memory_space<semaphore_mem>>)
    %dma_wait3A = arith.constant 0 : i32
    %dma_wait3A_5 = arith.constant 0 : i32
    %dma_wait3A_6 = tpu.memref_slice %arg2[%dma_wait3A, %dma_wait3A_5] : memref<1024x256xf32, #tpu.memory_space<hbm>> -> memref<1024x256xf32, #tpu.memory_space<hbm>>
    tpu.wait_indirect_dma semaphore(%arg10 : memref<!tpu.dma_semaphore, #tpu.memory_space<semaphore_mem>>) src(%dma_wait3A_6 : memref<1024x256xf32, #tpu.memory_space<hbm>>) dst(%arg9 : memref<32x256xf32, #tpu.memory_space<vmem>>)
    %dma_start3A_7 = arith.constant 0 : i32
    %dma_start3A_8 = arith.constant 0 : i32
    %dma_start3A_9 = tpu.memref_slice %arg5[%dma_start3A_7, %dma_start3A_8] : memref<100000x256xf32, #tpu.memory_space<hbm>> -> memref<100000x256xf32, #tpu.memory_space<hbm>>
    tpu.enqueue_indirect_dma source(%arg9 : memref<32x256xf32, #tpu.memory_space<vmem>>) target(%dma_start3A_9 : memref<100000x256xf32, #tpu.memory_space<hbm>>) offsets(%arg8 : memref<32xi32, #tpu.memory_space<vmem>>) semaphore(%arg10 : memref<!tpu.dma_semaphore, #tpu.memory_space<semaphore_mem>>)
    %dma_wait3A_10 = arith.constant 0 : i32
    %dma_wait3A_11 = arith.constant 0 : i32
    %dma_wait3A_12 = tpu.memref_slice %arg5[%dma_wait3A_10, %dma_wait3A_11] : memref<100000x256xf32, #tpu.memory_space<hbm>> -> memref<100000x256xf32, #tpu.memory_space<hbm>>
    tpu.wait_indirect_dma semaphore(%arg10 : memref<!tpu.dma_semaphore, #tpu.memory_space<semaphore_mem>>) src(%arg9 : memref<32x256xf32, #tpu.memory_space<vmem>>) dst(%dma_wait3A_12 : memref<100000x256xf32, #tpu.memory_space<hbm>>)
    return
  }
}

module attributes {stable_mosaic.version = 14 : i64} {
  func.func @_mm_body(%arg0: i32, %arg1: memref<1024x256xf32, #tpu.memory_space<vmem>>, %arg2: memref<5120x256xf32, #tpu.memory_space<vmem>>, %arg3: memref<5120x256xf32, #tpu.memory_space<vmem>>, %arg4: memref<1024x256xf32, #tpu.memory_space<vmem>>, %arg5: memref<5120x256xf32, #tpu.memory_space<vmem>>, %arg6: memref<1024x256xf32, #tpu.memory_space<vmem>>, %arg7: memref<1x1xf32, #tpu.memory_space<smem>>, %arg8: memref<1024x1xf32, #tpu.memory_space<vmem>>, %arg9: memref<1024x1xf32, #tpu.memory_space<vmem>>, %arg10: memref<1024x256xbf16, #tpu.memory_space<vmem>>, %arg11: memref<!tpu.dma_semaphore, #tpu.memory_space<semaphore_mem>>) attributes {dimension_semantics = [#tpu.dimension_semantics<arbitrary>], iteration_bounds = array<i64: 21>, scalar_prefetch = 0 : i64, scratch_operands = 4 : i64, tpu.core_type = #tpu.core_type<tc>, window_params = [{pipeline_mode = #tpu.pipeline_mode<synchronous>, transform_indices = @transform_0, window_bounds = array<i64: 1024, 256>}, {transform_indices = @transform_1, window_bounds = array<i64: 5120, 256>}, {transform_indices = @transform_2, window_bounds = array<i64: 5120, 256>}, {pipeline_mode = #tpu.pipeline_mode<synchronous>, transform_indices = @transform_3, window_bounds = array<i64: 1024, 256>}, {transform_indices = @transform_4, window_bounds = array<i64: 5120, 256>}, {pipeline_mode = #tpu.pipeline_mode<synchronous>, transform_indices = @transform_5, window_bounds = array<i64: 1024, 256>}, {transform_indices = @transform_6, window_bounds = array<i64: 1, 1>}]} {
    %eq3A = arith.constant 0 : i32
    %eq3A_0 = arith.cmpi eq, %arg0, %eq3A : i32
    %convert_element_type3A = arith.extui %eq3A_0 : i1 to i32
    %cond3A = arith.constant 0 : i32
    %cond3A_1 = arith.cmpi ne, %convert_element_type3A, %cond3A : i32
    scf.if %cond3A_1 {
      %get3A = arith.constant 0 : index
      %get3A_44 = arith.constant 0 : index
      %get3A_45 = vector.load %arg1[%get3A, %get3A_44] : memref<1024x256xf32, #tpu.memory_space<vmem>>, vector<1024x256xf32>
      %mul3A = arith.constant 43.2808495 : f32
      %mul3A_46 = vector.broadcast %mul3A : f32 to vector<1024x256xf32>
      %mul3A_47 = arith.mulf %get3A_45, %mul3A_46 : vector<1024x256xf32>
      %convert_element_type3A_48 = arith.truncf %mul3A_47 : vector<1024x256xf32> to vector<1024x256xbf16>
      %swap3A = arith.constant 0 : index
      %swap3A_49 = arith.constant 0 : index
      %swap3A_50 = vector.load %arg10[%swap3A, %swap3A_49] : memref<1024x256xbf16, #tpu.memory_space<vmem>>, vector<1024x256xbf16>
      tpu.vector_store %arg10[%swap3A, %swap3A_49], %convert_element_type3A_48 {strides = array<i32>} : memref<1024x256xbf16, #tpu.memory_space<vmem>>, vector<1024x256xbf16>,
    } else {
    }
    %lt3A = arith.constant 20 : i32
    %lt3A_2 = arith.cmpi slt, %arg0, %lt3A : i32
    %convert_element_type3A_3 = arith.extui %lt3A_2 : i1 to i32
    %cond3A_4 = arith.constant 0 : i32
    %cond3A_5 = arith.cmpi ne, %convert_element_type3A_3, %cond3A_4 : i32
    scf.if %cond3A_5 {
      tpu.enqueue_dma source(%arg2 : memref<5120x256xf32, #tpu.memory_space<vmem>>) target(%arg5 : memref<5120x256xf32, #tpu.memory_space<vmem>>) target_semaphore(%arg11 : memref<!tpu.dma_semaphore, #tpu.memory_space<semaphore_mem>>)
    } else {
    }
    %eq3A_6 = arith.constant 0 : i32
    %eq3A_7 = arith.cmpi eq, %arg0, %eq3A_6 : i32
    %convert_element_type3A_8 = arith.extui %eq3A_7 : i1 to i32
    %cond3A_9 = arith.constant 0 : i32
    %cond3A_10 = arith.cmpi ne, %convert_element_type3A_8, %cond3A_9 : i32
    scf.if %cond3A_10 {
      %get3A = arith.constant 0 : index
      %get3A_44 = arith.constant 0 : index
      %get3A_45 = vector.load %arg2[%get3A, %get3A_44] : memref<5120x256xf32, #tpu.memory_space<vmem>>, vector<5120x256xf32>
      %get3A_46 = arith.constant 0 : index
      %get3A_47 = arith.constant 0 : index
      %get3A_48 = vector.load %arg10[%get3A_46, %get3A_47] : memref<1024x256xbf16, #tpu.memory_space<vmem>>, vector<1024x256xbf16>
      %convert_element_type3A_49 = arith.truncf %get3A_45 : vector<5120x256xf32> to vector<5120x256xbf16>
      %dot_general3A = arith.constant dense<0.000000e+00> : vector<1024x5120xf32>
      %dot_general3A_50 = tpu.matmul %get3A_48, %convert_element_type3A_49, %dot_general3A {dimension_numbers = #tpu.dot_dimension_numbers<[1], [1], [0], [0], [0, 0, 1, 0], [], []>, transpose_lhs_hint = false} : vector<1024x256xbf16>, vector<5120x256xbf16>, vector<1024x5120xf32> -> vector<1024x5120xf32>
      %reduce_max3A = arith.constant dense<0xFF800000> : vector<1024xf32>
      %reduce_max3A_51 = vector.multi_reduction <maximumf>, %dot_general3A_50, %reduce_max3A [1] : vector<1024x5120xf32> to vector<1024xf32>
      %broadcast_in_dim3A = vector.shape_cast %reduce_max3A_51 : vector<1024xf32> to vector<1024x1xf32>
      %add3A = arith.constant 4.000000e+01 : f32
      %add3A_52 = vector.broadcast %add3A : f32 to vector<1024x1xf32>
      %add3A_53 = arith.addf %broadcast_in_dim3A, %add3A_52 : vector<1024x1xf32>
      %swap3A = arith.constant 0 : index
      %swap3A_54 = arith.constant 0 : index
      %swap3A_55 = vector.load %arg8[%swap3A, %swap3A_54] : memref<1024x1xf32, #tpu.memory_space<vmem>>, vector<1024x1xf32>
      tpu.vector_store %arg8[%swap3A, %swap3A_54], %add3A_53 {strides = array<i32>} : memref<1024x1xf32, #tpu.memory_space<vmem>>, vector<1024x1xf32>,
      %broadcast_in_dim3A_56 = arith.constant 0.000000e+00 : f32
      %broadcast_in_dim3A_57 = vector.broadcast %broadcast_in_dim3A_56 : f32 to vector<1024x1xf32>
      %swap3A_58 = arith.constant 0 : index
      %swap3A_59 = arith.constant 0 : index
      %swap3A_60 = vector.load %arg9[%swap3A_58, %swap3A_59] : memref<1024x1xf32, #tpu.memory_space<vmem>>, vector<1024x1xf32>
      tpu.vector_store %arg9[%swap3A_58, %swap3A_59], %broadcast_in_dim3A_57 {strides = array<i32>} : memref<1024x1xf32, #tpu.memory_space<vmem>>, vector<1024x1xf32>,
      %get3A_61 = arith.constant 0 : index
      %get3A_62 = arith.constant 0 : index
      %get3A_63 = vector.load %arg9[%get3A_61, %get3A_62] : memref<1024x1xf32, #tpu.memory_space<vmem>>, vector<1024x1xf32>
      %get3A_64 = arith.constant 0 : index
      %get3A_65 = arith.constant 0 : index
      %get3A_66 = vector.load %arg8[%get3A_64, %get3A_65] : memref<1024x1xf32, #tpu.memory_space<vmem>>, vector<1024x1xf32>
      %sub3A = vector.broadcast %get3A_66 : vector<1024x1xf32> to vector<1024x5120xf32>
      %sub3A_67 = arith.subf %dot_general3A_50, %sub3A : vector<1024x5120xf32>
      %exp23A = math.exp2 %sub3A_67 : vector<1024x5120xf32>
      %reduce_sum3A = arith.constant dense<0.000000e+00> : vector<1024xf32>
      %reduce_sum3A_68 = vector.multi_reduction <add>, %exp23A, %reduce_sum3A [1] : vector<1024x5120xf32> to vector<1024xf32>
      %broadcast_in_dim3A_69 = vector.shape_cast %reduce_sum3A_68 : vector<1024xf32> to vector<1024x1xf32>
      %add3A_70 = arith.addf %get3A_63, %broadcast_in_dim3A_69 : vector<1024x1xf32>
      %swap3A_71 = arith.constant 0 : index
      %swap3A_72 = arith.constant 0 : index
      %swap3A_73 = vector.load %arg9[%swap3A_71, %swap3A_72] : memref<1024x1xf32, #tpu.memory_space<vmem>>, vector<1024x1xf32>
      tpu.vector_store %arg9[%swap3A_71, %swap3A_72], %add3A_70 {strides = array<i32>} : memref<1024x1xf32, #tpu.memory_space<vmem>>, vector<1024x1xf32>,
    } else {
    }
    %gt3A = arith.constant 0 : i32
    %gt3A_11 = arith.cmpi sgt, %arg0, %gt3A : i32
    %lt3A_12 = arith.constant 19 : i32
    %lt3A_13 = arith.cmpi slt, %arg0, %lt3A_12 : i32
    %and3A = arith.andi %gt3A_11, %lt3A_13 : i1
    %convert_element_type3A_14 = arith.extui %and3A : i1 to i32
    %cond3A_15 = arith.constant 0 : i32
    %cond3A_16 = arith.cmpi ne, %convert_element_type3A_14, %cond3A_15 : i32
    scf.if %cond3A_16 {
      %get3A = arith.constant 0 : index
      %get3A_44 = arith.constant 0 : index
      %get3A_45 = vector.load %arg2[%get3A, %get3A_44] : memref<5120x256xf32, #tpu.memory_space<vmem>>, vector<5120x256xf32>
      %get3A_46 = arith.constant 0 : index
      %get3A_47 = arith.constant 0 : index
      %get3A_48 = vector.load %arg10[%get3A_46, %get3A_47] : memref<1024x256xbf16, #tpu.memory_space<vmem>>, vector<1024x256xbf16>
      %convert_element_type3A_49 = arith.truncf %get3A_45 : vector<5120x256xf32> to vector<5120x256xbf16>
      %dot_general3A = arith.constant dense<0.000000e+00> : vector<1024x5120xf32>
      %dot_general3A_50 = tpu.matmul %get3A_48, %convert_element_type3A_49, %dot_general3A {dimension_numbers = #tpu.dot_dimension_numbers<[1], [1], [0], [0], [0, 0, 1, 0], [], []>, transpose_lhs_hint = false} : vector<1024x256xbf16>, vector<5120x256xbf16>, vector<1024x5120xf32> -> vector<1024x5120xf32>
      %get3A_51 = arith.constant 0 : index
      %get3A_52 = arith.constant 0 : index
      %get3A_53 = vector.load %arg9[%get3A_51, %get3A_52] : memref<1024x1xf32, #tpu.memory_space<vmem>>, vector<1024x1xf32>
      %get3A_54 = arith.constant 0 : index
      %get3A_55 = arith.constant 0 : index
      %get3A_56 = vector.load %arg8[%get3A_54, %get3A_55] : memref<1024x1xf32, #tpu.memory_space<vmem>>, vector<1024x1xf32>
      %sub3A = vector.broadcast %get3A_56 : vector<1024x1xf32> to vector<1024x5120xf32>
      %sub3A_57 = arith.subf %dot_general3A_50, %sub3A : vector<1024x5120xf32>
      %exp23A = math.exp2 %sub3A_57 : vector<1024x5120xf32>
      %reduce_sum3A = arith.constant dense<0.000000e+00> : vector<1024xf32>
      %reduce_sum3A_58 = vector.multi_reduction <add>, %exp23A, %reduce_sum3A [1] : vector<1024x5120xf32> to vector<1024xf32>
      %broadcast_in_dim3A = vector.shape_cast %reduce_sum3A_58 : vector<1024xf32> to vector<1024x1xf32>
      %add3A = arith.addf %get3A_53, %broadcast_in_dim3A : vector<1024x1xf32>
      %swap3A = arith.constant 0 : index
      %swap3A_59 = arith.constant 0 : index
      %swap3A_60 = vector.load %arg9[%swap3A, %swap3A_59] : memref<1024x1xf32, #tpu.memory_space<vmem>>, vector<1024x1xf32>
      tpu.vector_store %arg9[%swap3A, %swap3A_59], %add3A {strides = array<i32>} : memref<1024x1xf32, #tpu.memory_space<vmem>>, vector<1024x1xf32>,
    } else {
    }
    %eq3A_17 = arith.constant 19 : i32
    %eq3A_18 = arith.cmpi eq, %arg0, %eq3A_17 : i32
    %convert_element_type3A_19 = arith.extui %eq3A_18 : i1 to i32
    %cond3A_20 = arith.constant 0 : i32
    %cond3A_21 = arith.cmpi ne, %convert_element_type3A_19, %cond3A_20 : i32
    scf.if %cond3A_21 {
      %get3A = arith.constant 0 : index
      %get3A_44 = arith.constant 0 : index
      %get3A_45 = vector.load %arg2[%get3A, %get3A_44] : memref<5120x256xf32, #tpu.memory_space<vmem>>, vector<5120x256xf32>
      %get3A_46 = arith.constant 0 : index
      %get3A_47 = arith.constant 0 : index
      %get3A_48 = vector.load %arg10[%get3A_46, %get3A_47] : memref<1024x256xbf16, #tpu.memory_space<vmem>>, vector<1024x256xbf16>
      %convert_element_type3A_49 = arith.truncf %get3A_45 : vector<5120x256xf32> to vector<5120x256xbf16>
      %dot_general3A = arith.constant dense<0.000000e+00> : vector<1024x5120xf32>
      %dot_general3A_50 = tpu.matmul %get3A_48, %convert_element_type3A_49, %dot_general3A {dimension_numbers = #tpu.dot_dimension_numbers<[1], [1], [0], [0], [0, 0, 1, 0], [], []>, transpose_lhs_hint = false} : vector<1024x256xbf16>, vector<5120x256xbf16>, vector<1024x5120xf32> -> vector<1024x5120xf32>
      %iota3A = tpu.iota {dimensions = array<i32: 1>} : vector<1024x5120xi32>
      %lt3A_51 = arith.constant 2720 : i32
      %lt3A_52 = vector.broadcast %lt3A_51 : i32 to vector<1024x5120xi32>
      %lt3A_53 = arith.cmpi slt, %iota3A, %lt3A_52 : vector<1024x5120xi32>
      %jit3A = arith.constant 0xFF800000 : f32
      %broadcast_in_dim3A = vector.broadcast %jit3A : f32 to vector<1024x5120xf32>
      %select_n3A = arith.select %lt3A_53, %dot_general3A_50, %broadcast_in_dim3A : vector<1024x5120xi1>, vector<1024x5120xf32>
      %get3A_54 = arith.constant 0 : index
      %get3A_55 = arith.constant 0 : index
      %get3A_56 = vector.load %arg9[%get3A_54, %get3A_55] : memref<1024x1xf32, #tpu.memory_space<vmem>>, vector<1024x1xf32>
      %get3A_57 = arith.constant 0 : index
      %get3A_58 = arith.constant 0 : index
      %get3A_59 = vector.load %arg8[%get3A_57, %get3A_58] : memref<1024x1xf32, #tpu.memory_space<vmem>>, vector<1024x1xf32>
      %sub3A = vector.broadcast %get3A_59 : vector<1024x1xf32> to vector<1024x5120xf32>
      %sub3A_60 = arith.subf %select_n3A, %sub3A : vector<1024x5120xf32>
      %exp23A = math.exp2 %sub3A_60 : vector<1024x5120xf32>
      %reduce_sum3A = arith.constant dense<0.000000e+00> : vector<1024xf32>
      %reduce_sum3A_61 = vector.multi_reduction <add>, %exp23A, %reduce_sum3A [1] : vector<1024x5120xf32> to vector<1024xf32>
      %broadcast_in_dim3A_62 = vector.shape_cast %reduce_sum3A_61 : vector<1024xf32> to vector<1024x1xf32>
      %add3A = arith.addf %get3A_56, %broadcast_in_dim3A_62 : vector<1024x1xf32>
      %swap3A = arith.constant 0 : index
      %swap3A_63 = arith.constant 0 : index
      %swap3A_64 = vector.load %arg9[%swap3A, %swap3A_63] : memref<1024x1xf32, #tpu.memory_space<vmem>>, vector<1024x1xf32>
      tpu.vector_store %arg9[%swap3A, %swap3A_63], %add3A {strides = array<i32>} : memref<1024x1xf32, #tpu.memory_space<vmem>>, vector<1024x1xf32>,
    } else {
    }
    %ge3A = arith.constant 20 : i32
    %ge3A_22 = arith.cmpi sge, %arg0, %ge3A : i32
    %lt3A_23 = arith.constant 20 : i32
    %lt3A_24 = arith.cmpi slt, %arg0, %lt3A_23 : i32
    %and3A_25 = arith.andi %ge3A_22, %lt3A_24 : i1
    %convert_element_type3A_26 = arith.extui %and3A_25 : i1 to i32
    %cond3A_27 = arith.constant 0 : i32
    %cond3A_28 = arith.cmpi ne, %convert_element_type3A_26, %cond3A_27 : i32
    scf.if %cond3A_28 {
      %get3A = arith.constant 0 : index
      %get3A_44 = arith.constant 0 : index
      %get3A_45 = vector.load %arg3[%get3A, %get3A_44] : memref<5120x256xf32, #tpu.memory_space<vmem>>, vector<5120x256xf32>
      %get3A_46 = arith.constant 0 : index
      %get3A_47 = arith.constant 0 : index
      %get3A_48 = vector.load %arg10[%get3A_46, %get3A_47] : memref<1024x256xbf16, #tpu.memory_space<vmem>>, vector<1024x256xbf16>
      %convert_element_type3A_49 = arith.truncf %get3A_45 : vector<5120x256xf32> to vector<5120x256xbf16>
      %dot_general3A = arith.constant dense<0.000000e+00> : vector<1024x5120xf32>
      %dot_general3A_50 = tpu.matmul %get3A_48, %convert_element_type3A_49, %dot_general3A {dimension_numbers = #tpu.dot_dimension_numbers<[1], [1], [0], [0], [0, 0, 1, 0], [], []>, transpose_lhs_hint = false} : vector<1024x256xbf16>, vector<5120x256xbf16>, vector<1024x5120xf32> -> vector<1024x5120xf32>
      %get3A_51 = arith.constant 0 : index
      %get3A_52 = arith.constant 0 : index
      %get3A_53 = vector.load %arg9[%get3A_51, %get3A_52] : memref<1024x1xf32, #tpu.memory_space<vmem>>, vector<1024x1xf32>
      %get3A_54 = arith.constant 0 : index
      %get3A_55 = arith.constant 0 : index
      %get3A_56 = vector.load %arg8[%get3A_54, %get3A_55] : memref<1024x1xf32, #tpu.memory_space<vmem>>, vector<1024x1xf32>
      %sub3A = vector.broadcast %get3A_56 : vector<1024x1xf32> to vector<1024x5120xf32>
      %sub3A_57 = arith.subf %dot_general3A_50, %sub3A : vector<1024x5120xf32>
      %exp23A = math.exp2 %sub3A_57 : vector<1024x5120xf32>
      %reduce_sum3A = arith.constant dense<0.000000e+00> : vector<1024xf32>
      %reduce_sum3A_58 = vector.multi_reduction <add>, %exp23A, %reduce_sum3A [1] : vector<1024x5120xf32> to vector<1024xf32>
      %broadcast_in_dim3A = vector.shape_cast %reduce_sum3A_58 : vector<1024xf32> to vector<1024x1xf32>
      %add3A = arith.addf %get3A_53, %broadcast_in_dim3A : vector<1024x1xf32>
      %swap3A = arith.constant 0 : index
      %swap3A_59 = arith.constant 0 : index
      %swap3A_60 = vector.load %arg9[%swap3A, %swap3A_59] : memref<1024x1xf32, #tpu.memory_space<vmem>>, vector<1024x1xf32>
      tpu.vector_store %arg9[%swap3A, %swap3A_59], %add3A {strides = array<i32>} : memref<1024x1xf32, #tpu.memory_space<vmem>>, vector<1024x1xf32>,
    } else {
    }
    %eq3A_29 = arith.constant 20 : i32
    %eq3A_30 = arith.cmpi eq, %arg0, %eq3A_29 : i32
    %convert_element_type3A_31 = arith.extui %eq3A_30 : i1 to i32
    %cond3A_32 = arith.constant 0 : i32
    %cond3A_33 = arith.cmpi ne, %convert_element_type3A_31, %cond3A_32 : i32
    scf.if %cond3A_33 {
      %get3A = arith.constant 0 : index
      %get3A_44 = arith.constant 0 : index
      %get3A_45 = vector.load %arg3[%get3A, %get3A_44] : memref<5120x256xf32, #tpu.memory_space<vmem>>, vector<5120x256xf32>
      %get3A_46 = arith.constant 0 : index
      %get3A_47 = arith.constant 0 : index
      %get3A_48 = vector.load %arg10[%get3A_46, %get3A_47] : memref<1024x256xbf16, #tpu.memory_space<vmem>>, vector<1024x256xbf16>
      %convert_element_type3A_49 = arith.truncf %get3A_45 : vector<5120x256xf32> to vector<5120x256xbf16>
      %dot_general3A = arith.constant dense<0.000000e+00> : vector<1024x5120xf32>
      %dot_general3A_50 = tpu.matmul %get3A_48, %convert_element_type3A_49, %dot_general3A {dimension_numbers = #tpu.dot_dimension_numbers<[1], [1], [0], [0], [0, 0, 1, 0], [], []>, transpose_lhs_hint = false} : vector<1024x256xbf16>, vector<5120x256xbf16>, vector<1024x5120xf32> -> vector<1024x5120xf32>
      %iota3A = tpu.iota {dimensions = array<i32: 1>} : vector<1024x5120xi32>
      %lt3A_51 = arith.constant 5000 : i32
      %lt3A_52 = vector.broadcast %lt3A_51 : i32 to vector<1024x5120xi32>
      %lt3A_53 = arith.cmpi slt, %iota3A, %lt3A_52 : vector<1024x5120xi32>
      %jit3A = arith.constant 0xFF800000 : f32
      %broadcast_in_dim3A = vector.broadcast %jit3A : f32 to vector<1024x5120xf32>
      %select_n3A = arith.select %lt3A_53, %dot_general3A_50, %broadcast_in_dim3A : vector<1024x5120xi1>, vector<1024x5120xf32>
      %get3A_54 = arith.constant 0 : index
      %get3A_55 = arith.constant 0 : index
      %get3A_56 = vector.load %arg9[%get3A_54, %get3A_55] : memref<1024x1xf32, #tpu.memory_space<vmem>>, vector<1024x1xf32>
      %get3A_57 = arith.constant 0 : index
      %get3A_58 = arith.constant 0 : index
      %get3A_59 = vector.load %arg8[%get3A_57, %get3A_58] : memref<1024x1xf32, #tpu.memory_space<vmem>>, vector<1024x1xf32>
      %sub3A = vector.broadcast %get3A_59 : vector<1024x1xf32> to vector<1024x5120xf32>
      %sub3A_60 = arith.subf %select_n3A, %sub3A : vector<1024x5120xf32>
      %exp23A = math.exp2 %sub3A_60 : vector<1024x5120xf32>
      %reduce_sum3A = arith.constant dense<0.000000e+00> : vector<1024xf32>
      %reduce_sum3A_61 = vector.multi_reduction <add>, %exp23A, %reduce_sum3A [1] : vector<1024x5120xf32> to vector<1024xf32>
      %broadcast_in_dim3A_62 = vector.shape_cast %reduce_sum3A_61 : vector<1024xf32> to vector<1024x1xf32>
      %add3A = arith.addf %get3A_56, %broadcast_in_dim3A_62 : vector<1024x1xf32>
      %swap3A = arith.constant 0 : index
      %swap3A_63 = arith.constant 0 : index
      %swap3A_64 = vector.load %arg9[%swap3A, %swap3A_63] : memref<1024x1xf32, #tpu.memory_space<vmem>>, vector<1024x1xf32>
      tpu.vector_store %arg9[%swap3A, %swap3A_63], %add3A {strides = array<i32>} : memref<1024x1xf32, #tpu.memory_space<vmem>>, vector<1024x1xf32>,
    } else {
    }
    %eq3A_34 = arith.constant 20 : i32
    %eq3A_35 = arith.cmpi eq, %arg0, %eq3A_34 : i32
    %convert_element_type3A_36 = arith.extui %eq3A_35 : i1 to i32
    %cond3A_37 = arith.constant 0 : i32
    %cond3A_38 = arith.cmpi ne, %convert_element_type3A_36, %cond3A_37 : i32
    scf.if %cond3A_38 {
      %get3A = arith.constant 0 : index
      %get3A_44 = arith.constant 0 : index
      %get3A_45 = vector.load %arg4[%get3A, %get3A_44] : memref<1024x256xf32, #tpu.memory_space<vmem>>, vector<1024x256xf32>
      %get3A_46 = arith.constant 0 : index
      %get3A_47 = arith.constant 0 : index
      %get3A_48 = vector.load %arg1[%get3A_46, %get3A_47] : memref<1024x256xf32, #tpu.memory_space<vmem>>, vector<1024x256xf32>
      %get3A_49 = arith.constant 0 : index
      %get3A_50 = arith.constant 0 : index
      %get3A_51 = vector.load %arg8[%get3A_49, %get3A_50] : memref<1024x1xf32, #tpu.memory_space<vmem>>, vector<1024x1xf32>
      %mul3A = arith.constant 0.693147182 : f32
      %mul3A_52 = vector.broadcast %mul3A : f32 to vector<1024x1xf32>
      %mul3A_53 = arith.mulf %mul3A_52, %get3A_51 : vector<1024x1xf32>
      %get3A_54 = arith.constant 0 : index
      %get3A_55 = arith.constant 0 : index
      %get3A_56 = vector.load %arg9[%get3A_54, %get3A_55] : memref<1024x1xf32, #tpu.memory_space<vmem>>, vector<1024x1xf32>
      %log3A = math.log %get3A_56 : vector<1024x1xf32>
      %add3A = arith.addf %mul3A_53, %log3A : vector<1024x1xf32>
      %mul3A_57 = arith.mulf %get3A_48, %get3A_45 : vector<1024x256xf32>
      %reduce_sum3A = arith.constant dense<0.000000e+00> : vector<1024xf32>
      %reduce_sum3A_58 = vector.multi_reduction <add>, %mul3A_57, %reduce_sum3A [1] : vector<1024x256xf32> to vector<1024xf32>
      %broadcast_in_dim3A = vector.shape_cast %reduce_sum3A_58 : vector<1024xf32> to vector<1024x1xf32>
      %mul3A_59 = arith.constant 3.000000e+01 : f32
      %mul3A_60 = vector.broadcast %mul3A_59 : f32 to vector<1024x1xf32>
      %mul3A_61 = arith.mulf %mul3A_60, %broadcast_in_dim3A : vector<1024x1xf32>
      %sub3A = arith.subf %add3A, %mul3A_61 : vector<1024x1xf32>
      %reduce_sum3A_62 = vector.shape_cast %sub3A : vector<1024x1xf32> to vector<1x1024x1xf32>
      %reduce_sum3A_63 = arith.constant dense<0.000000e+00> : vector<1xf32>
      %reduce_sum3A_64 = vector.multi_reduction <add>, %reduce_sum3A_62, %reduce_sum3A_63 [1, 2] : vector<1x1024x1xf32> to vector<1xf32>
      %reduce_sum3A_65 = vector.shape_cast %reduce_sum3A_64 : vector<1xf32> to vector<1x1x1xf32>
      %reduce_sum3A_66 = vector.extract %reduce_sum3A_65[0, 0, 0] : f32 from vector<1x1x1xf32>
      %div3A = arith.constant 1.024000e+03 : f32
      %div3A_67 = arith.divf %reduce_sum3A_66, %div3A : f32
      %swap3A = arith.constant 0 : index
      %swap3A_68 = arith.constant 0 : index
      %swap3A_69 = memref.load %arg7[%swap3A, %swap3A_68] : memref<1x1xf32, #tpu.memory_space<smem>>
      memref.store %div3A_67, %arg7[%swap3A, %swap3A_68] : memref<1x1xf32, #tpu.memory_space<smem>>
      %mul3A_70 = arith.constant 5.000000e-01 : f32
      %mul3A_71 = vector.broadcast %mul3A_70 : f32 to vector<1024x256xf32>
      %mul3A_72 = arith.mulf %mul3A_71, %get3A_45 : vector<1024x256xf32>
      %mul3A_73 = arith.constant 5.000000e-01 : f32
      %mul3A_74 = vector.broadcast %mul3A_73 : f32 to vector<1024x256xf32>
      %mul3A_75 = arith.mulf %mul3A_74, %get3A_48 : vector<1024x256xf32>
      %add3A_76 = arith.addf %mul3A_72, %mul3A_75 : vector<1024x256xf32>
      %mul3A_77 = arith.mulf %add3A_76, %add3A_76 : vector<1024x256xf32>
      %reduce_sum3A_78 = arith.constant dense<0.000000e+00> : vector<1024xf32>
      %reduce_sum3A_79 = vector.multi_reduction <add>, %mul3A_77, %reduce_sum3A_78 [1] : vector<1024x256xf32> to vector<1024xf32>
      %broadcast_in_dim3A_80 = vector.shape_cast %reduce_sum3A_79 : vector<1024xf32> to vector<1024x1xf32>
      %sqrt3A = math.sqrt %broadcast_in_dim3A_80 : vector<1024x1xf32>
      %max3A = arith.constant 9.99999996E-13 : f32
      %max3A_81 = vector.broadcast %max3A : f32 to vector<1024x1xf32>
      %max3A_82 = arith.maximumf %sqrt3A, %max3A_81 : vector<1024x1xf32>
      %div3A_83 = vector.broadcast %max3A_82 : vector<1024x1xf32> to vector<1024x256xf32>
      %div3A_84 = arith.divf %add3A_76, %div3A_83 : vector<1024x256xf32>
      %swap3A_85 = arith.constant 0 : index
      %swap3A_86 = arith.constant 0 : index
      %swap3A_87 = vector.load %arg6[%swap3A_85, %swap3A_86] : memref<1024x256xf32, #tpu.memory_space<vmem>>, vector<1024x256xf32>
      tpu.vector_store %arg6[%swap3A_85, %swap3A_86], %div3A_84 {strides = array<i32>} : memref<1024x256xf32, #tpu.memory_space<vmem>>, vector<1024x256xf32>,
    } else {
    }
    %lt3A_39 = arith.constant 20 : i32
    %lt3A_40 = arith.cmpi slt, %arg0, %lt3A_39 : i32
    %convert_element_type3A_41 = arith.extui %lt3A_40 : i1 to i32
    %cond3A_42 = arith.constant 0 : i32
    %cond3A_43 = arith.cmpi ne, %convert_element_type3A_41, %cond3A_42 : i32
    scf.if %cond3A_43 {
      tpu.wait_dma2 semaphore(%arg11 : memref<!tpu.dma_semaphore, #tpu.memory_space<semaphore_mem>>) src(%arg2 : memref<5120x256xf32, #tpu.memory_space<vmem>>) dst(%arg5 : memref<5120x256xf32, #tpu.memory_space<vmem>>)
    } else {
    }
    return
  }
  func.func @transform_0(%arg0: i32) -> (i32, i32) {
    %c0_i32 = arith.constant 0 : i32
    %c0_i32_0 = arith.constant 0 : i32
    %c0_i32_1 = arith.constant 0 : i32
    return %c0_i32, %c0_i32_0 : i32, i32
  }
  func.func @transform_1(%arg0: i32) -> (i32, i32) {
    %min3A = arith.constant 19 : i32
    %min3A_0 = arith.minsi %arg0, %min3A : i32
    %c0_i32 = arith.constant 0 : i32
    %c0_i32_1 = arith.constant 0 : i32
    return %min3A_0, %c0_i32 : i32, i32
  }
  func.func @transform_2(%arg0: i32) -> (i32, i32) {
    %sub3A = arith.constant 20 : i32
    %sub3A_0 = arith.subi %arg0, %sub3A : i32
    %jit3A = arith.constant 0 : i32
    %jit3A_1 = arith.constant 0 : i32
    %max3A = arith.maxsi %jit3A, %sub3A_0 : i32
    %min3A = arith.minsi %jit3A_1, %max3A : i32
    %c0_i32 = arith.constant 0 : i32
    %c0_i32_2 = arith.constant 0 : i32
    return %min3A, %c0_i32 : i32, i32
  }
  func.func @transform_3(%arg0: i32) -> (i32, i32) {
    %c0_i32 = arith.constant 0 : i32
    %c0_i32_0 = arith.constant 0 : i32
    %c0_i32_1 = arith.constant 0 : i32
    return %c0_i32, %c0_i32_0 : i32, i32
  }
  func.func @transform_4(%arg0: i32) -> (i32, i32) {
    %min3A = arith.constant 19 : i32
    %min3A_0 = arith.minsi %arg0, %min3A : i32
    %c0_i32 = arith.constant 0 : i32
    %c0_i32_1 = arith.constant 0 : i32
    return %min3A_0, %c0_i32 : i32, i32
  }
  func.func @transform_5(%arg0: i32) -> (i32, i32) {
    %c0_i32 = arith.constant 0 : i32
    %c0_i32_0 = arith.constant 0 : i32
    %c0_i32_1 = arith.constant 0 : i32
    return %c0_i32, %c0_i32_0 : i32, i32
  }
  func.func @transform_6(%arg0: i32) -> (i32, i32) {
    %c0_i32 = arith.constant 0 : i32
    %c0_i32_0 = arith.constant 0 : i32
    %c0_i32_1 = arith.constant 0 : i32
    return %c0_i32, %c0_i32_0 : i32, i32
  }
}

</mosaic_0001>

<sc_bundles>
// kernel: kernel.5.cloned.1.call-start
scs
__scs_entry_jumppad:
0x0: {  	(pc) =	sbr.rel $0x88, $3  }
0x1: {  	(tag) =	ssettag $0x0;
	lr =	simm.s32 $0x1  }
0x2: {  	[smem:$0x3F9D] =	sst lr;
	_ =	strace $0xD0000000  }
0x3: {  	_ = 	snop  }
0x4: {  	_ = 	snop  }
0x5: {  	_ = 	snop  }
0x6: {  	_ = 	snop  }
0x7: {  	_ = 	snop  }
__scs_overlays_trampoline_lowered:
0x8: {  	[smem:$0x3FAC] =	sst s0  }
0x9: {  	[smem:$0x3FAD] =	sst s1  }
0xa: {  	[smem:$0x3FAE] =	sst s2  }
0xb: {  	[smem:$0x3FAF] =	sst s3  }
0xc: {  	[smem:$0x3FB0] =	sst s4  }
0xd: {  	[smem:$0x3FB1] =	sst s5  }
0xe: {  	[smem:$0x3FB2] =	sst s6  }
0xf: {  	[smem:$0x3FB3] =	sst s7  }
0x10: {  	[smem:$0x3FB4] =	sst s8  }
0x11: {  	[smem:$0x3FB5] =	sst s9;
	s0 =	simm.s32 @!p0 $0x0  }
0x12: {  	s1 =	sld [smem:$0x3F9B];
	s0 =	simm.s32 @p0 $0x1  }
0x13: {  	[smem:$0x3FB6] =	sst s0;
	s0 =	simm.s32 @!p1 $0x0  }
0x14: {  	s2 =	sld [smem:$0x3F9A];
	s0 =	simm.s32 @p1 $0x1  }
0x15: {  	[smem:$0x3FB7] =	sst s0;
	s0 =	simm.s32 @!p2 $0x0  }
0x16: {  	s3 =	sld [smem:$0x3FDB];
	s0 =	simm.s32 @p2 $0x1  }
0x17: {  	s4 =	simm.s32 $0x1BF5;
	[smem:$0x3FB9] =	sst s0  }
0x18: {  	s0 =	sld [smem:$0x3F9C];
	_ =	swait.ge [sflag:s4], $0x0  }
0x19: {  	s7 =	sld [smem:$0x3F9D]  }
0x1a: {  	s8 =	sadd.s32 $0xFFFFE003, lr  }
0x1b: {  	s9 =	sadd.s32 $0xFFFFFEF7, lr;
	s5 =	simm.s32 $0xFFFFFFFF;
	p2 =	slt.u32 s8, $0xFFFFF086  }
0x1c: {  	p1 =	slt.u32 s9, $0xF7A;
	s5 =	simm.s32 @!p2 $0x0  }
0x1d: {  	s5 =	simm.s32 @p1 $0x1;
	p0 =	seq.s32 s7, s2  }
0x1e: {  	s7 =	smul.u32 @!p0 $0xF7A, s2;
	p2 =	seq.s32 @!p0 s5, $0x0  }
0x1f: {  	s9 =	smul.u32 $0xF7A, s1;
	s8 =	simm.s32 @!p0 $0x1BF5;
	p2 =	por !p2, p0  }
0x20: {  	[sflag:s8] =	ssyncset.s32 @!p0 $0xFFFFF086;
	s6 =	sadd.s32 @!p0 s3, s7;
	s7 =	simm.s32 @!p0 $0x108  }
0x21: {  	s3 =	sadd.s32 s3, s9;
	s6 =	sadd.s32 @!p0 $0x88, s6;
	s7 =	simm.s32 @p2 $0x1082  }
0x22: {  	[simem:s7], [sflag:s8] =	dma.local @!p0 [hbm:s6], $0xF7A  }
0x23: {  	s9 =	sor.u32 $0xD0000000, s2;
	s6 =	simm.s32 $0x108;
	_ =	swait.ge @!p0 [sflag:s8], $0x0  }
0x24: {  	s3 =	sadd.s32 $0x88, s3;
	s6 =	simm.s32 @!p1 $0x1082;
	[sflag:s4] =	ssyncset.s32 $0xFFFFF086  }
0x25: {  	[simem:s6], [sflag:s4] =	dma.local [hbm:s3], $0xF7A  }
0x26: {  	[smem:$0x3F9D] =	sst s1;
	(tag) =	ssettag s2;
	_ =	strace s9  }
0x27: {  	s1 =	sld [smem:$0x3FAD]  }
0x28: {  	s2 =	sld [smem:$0x3FAE]  }
0x29: {  	s4 =	sld [smem:$0x3FB0]  }
0x2a: {  	p0 =	seq.s32 s5, $0x0;
	s5 =	sld [smem:$0x3FB1]  }
0x2b: {  	s6 =	sld [smem:$0x3FB2]  }
0x2c: {  	s7 =	sld [smem:$0x3FB3]  }
0x2d: {  	s3 =	simm.s32 $0x108;
	s8 =	sld [smem:$0x3FB4]  }
0x2e: {  	s3 =	simm.s32 @!p0 $0x1082;
	s9 =	sld [smem:$0x3FB5]  }
0x2f: {  	lr =	sadd.s32 s0, s3;
	s0 =	sld [smem:$0x3FAC]  }
0x30: {  	s3 =	sld [smem:$0x3FAF]  }
0x31: {  	[smem:$0x3FB8] =	sst s10  }
0x32: {  	s10 =	sld [smem:$0x3FB6];
	_ =	sdelay $0x3  }
0x33: {  	p0 =	seq.s32 s10, $0x1;
	s10 =	sld [smem:$0x3FB8];
	_ =	sdelay $0x3  }
0x34: {  	[smem:$0x3FB8] =	sst s10  }
0x35: {  	s10 =	sld [smem:$0x3FB7];
	_ =	sdelay $0x3  }
0x36: {  	p1 =	seq.s32 s10, $0x1;
	s10 =	sld [smem:$0x3FB8];
	_ =	sdelay $0x3  }
0x37: {  	[smem:$0x3FB8] =	sst s10  }
0x38: {  	s10 =	sld [smem:$0x3FB9]  }
0x39: {  	_ = 	snop;
	(pc) =	sbr.ind lr, $3  }
0x3a: {  	_ = 	snop  }
0x3b: {  	_ = 	snop  }
0x3c: {  	p2 =	seq.s32 s10, $0x1;
	s10 =	sld [smem:$0x3FB8]  }
0x3d: {  	_ =	shalt  }
0x3e: {  	_ =	shalt  }
0x3f: {  	_ =	shalt  }
0x40: {  	_ =	shalt  }
0x41: {  	_ =	shalt  }
0x42: {  	_ =	shalt  }
0x43: {  	_ =	shalt  }
0x44: {  	_ =	shalt  }
0x45: {  	_ =	shalt  }
0x46: {  	_ =	shalt  }
0x47: {  	_ =	shalt  }
0x48: {  	_ =	shalt  }
0x49: {  	_ =	shalt  }
0x4a: {  	_ =	shalt  }
0x4b: {  	_ =	shalt  }
0x4c: {  	_ =	shalt  }
0x4d: {  	_ =	shalt  }
0x4e: {  	_ =	shalt  }
0x4f: {  	_ =	shalt  }
0x50: {  	_ =	shalt  }
0x51: {  	_ =	shalt  }
0x52: {  	_ =	shalt  }
0x53: {  	_ =	shalt  }
0x54: {  	_ =	shalt  }
0x55: {  	_ =	shalt  }
0x56: {  	_ =	shalt  }
0x57: {  	_ =	shalt  }
0x58: {  	_ =	shalt  }
0x59: {  	_ =	shalt  }
0x5a: {  	_ =	shalt  }
0x5b: {  	_ =	shalt  }
0x5c: {  	_ =	shalt  }
0x5d: {  	_ =	shalt  }
0x5e: {  	_ =	shalt  }
0x5f: {  	_ =	shalt  }
0x60: {  	_ =	shalt  }
0x61: {  	_ =	shalt  }
0x62: {  	_ =	shalt  }
0x63: {  	_ =	shalt  }
0x64: {  	_ =	shalt  }
0x65: {  	_ =	shalt  }
0x66: {  	_ =	shalt  }
0x67: {  	_ =	shalt  }
0x68: {  	_ =	shalt  }
0x69: {  	_ =	shalt  }
0x6a: {  	_ =	shalt  }
0x6b: {  	_ =	shalt  }
0x6c: {  	_ =	shalt  }
0x6d: {  	_ =	shalt  }
0x6e: {  	_ =	shalt  }
0x6f: {  	_ =	shalt  }
0x70: {  	_ =	shalt  }
0x71: {  	_ =	shalt  }
0x72: {  	_ =	shalt  }
0x73: {  	_ =	shalt  }
0x74: {  	_ =	shalt  }
0x75: {  	_ =	shalt  }
0x76: {  	_ =	shalt  }
0x77: {  	_ =	shalt  }
0x78: {  	_ =	shalt  }
0x79: {  	_ =	shalt  }
0x7a: {  	_ =	shalt  }
0x7b: {  	_ =	shalt  }
0x7c: {  	_ =	shalt  }
0x7d: {  	_ =	shalt  }
0x7e: {  	_ =	shalt  }
0x7f: {  	_ =	shalt  }
0x80: {  	_ =	shalt  }
0x81: {  	_ =	shalt  }
0x82: {  	_ =	shalt  }
0x83: {  	_ =	shalt  }
0x84: {  	_ =	shalt  }
0x85: {  	_ =	shalt  }
0x86: {  	_ =	shalt  }
0x87: {  	_ =	shalt  }
.Lfunc_end0:
.L_simem_size_0:
called_computation_lowered:
.L_overlay_start_0:
0x88: {  	s2 =	sld [smem:$0x3FD9]  }
0x89: {  	s3 =	sld [smem:$0x3FFE];
	_ =	sdelay $0x1  }
0x8a: {  	s1 =	srdreg.scid  }
0x8b: {  	s0 =	sand.u32 $0x1, s1  }
0x8c: {  	s17 =	sshll.u32 s0, $0xA;
	s2 =	sadd.s32 s3, s2  }
0x8d: {  	s2 =	sadd.s32 s2, s17  }
0x8e: {  	[smem:$0x3FC4] =	sst s2  }
0x8f: {  	_ = 	snop  }
0x90: {  	s2 =	sld [smem:$0x3FC8]  }
0x91: {  	s18 =	sld [smem:$0x3FC7];
	(tm) =	ssettm $0x1  }
0x92: {  	s4 =	sld [smem:$0x3FFB];
	_ =	sdelay $0x3  }
0x93: {  	_ =	strace s4  }
0x94: {  	s4 =	sld [smem:$0x3FFC];
	_ =	sdelay $0x3  }
0x95: {  	_ =	strace s4  }
0x96: {  	s4 =	sld [smem:$0x3FFD];
	_ =	sdelay $0x3  }
0x97: {  	_ =	strace s4  }
0x98: {  	_ =	strace $0x8FFFFFFF  }
0x99: {  	s19 =	sld [smem:$0x3FDB];
	_ =	sdelay $0x1  }
0x9a: {  	s5 =	simm.s32 $_scs_section_size  }
0x9b: {  	s6 =	simm.s32 $_size__tile_overlayer_lowered;
	s7 =	simm.s32 $_tile_overlayer_lowered  }
0x9c: {  	s22 =	simm.s32 $0x1BFF;
	s21 =	sshll.u32 s7, $0x1;
	s4 =	sadd.s32 s5, s19  }
0x9d: {  	s8 =	simm.s32 $0x0;
	s20 =	sshll.u32 s6, $0x1;
	s6 =	sadd.s32 s21, s4  }
0x9e: {  	[timem:s8], [sflag:s22] =	dma.local [hbm:s6], s20  }
0x9f: {  	_ =	swait.ge [sflag:s22], s20  }
0xa0: {  	s5 =	ssub.s32 $0x0, s20;
	[sflag:s22] =	ssyncset.done $0x0  }
0xa1: {  	[sflag:s22] =	ssyncadd.s32 s5;
	_ =	sdelay $0x1  }
0xa2: {  	s23 =	simm.s32 $0x1B8B  }
0xa3: {  	_ =	swait.ge [sflag:s23], $0x1  }
0xa4: {  	[sflag:s23] =	ssyncset.done $0x0  }
0xa5: {  	s25 =	simm.s32 $0x1B8E;
	s24 =	sld [smem:$0x3FFE];
	[sflag:s23] =	ssyncadd.s32 $0xFFFFFFFF  }
0xa6: {  	s26 =	simm.s32 $execute0_lowered;
	[smem:$0x3FD2] =	sst s25  }
0xa7: {  	s6 =	sshll.u32 s26, $0x1;
	_ =	strace $0x80000046;
	[dreg:$0x1] =	wrdreg $0xFFFFFFFF  }
0xa8: {  	s28 =	simm.s32 $_size_execute0_lowered;
	s4 =	sadd.s32 s4, s6;
	[dreg:$0x0] =	wrdreg $0x0  }
0xa9: {  	s6 =	sshll.u32 s28, $0x1;
	[dreg:$0x2] =	wrdreg s4  }
0xaa: {  	[dreg:$0x3] =	wrdreg s6  }
0xab: {  	[dreg:$0x4] =	wrdreg $0xC0  }
0xac: {  	_ =	task [dreg:s8], $0x5FFFF  }
0xad: {  	[dreg:$0x1] =	wrdreg $0xFFFFFFFF  }
0xae: {  	[dreg:$0x0] =	wrdreg $0x60  }
0xaf: {  	[dreg:$0x2] =	wrdreg s18  }
0xb0: {  	[dreg:$0x3] =	wrdreg s2  }
0xb1: {  	[dreg:$0x4] =	wrdreg s24  }
0xb2: {  	[dreg:$0x5] =	wrdreg $0x9  }
0xb3: {  	_ =	task.clear_ibuf [dreg:s8], $0x6FFFF;
	_ =	strace $0x90000046  }
0xb4: {  	s29 =	simm.s32 $0x9;
	_ =	strace $0x80000048  }
0xb5: {  	_ =	swait.ge [sflag:s29], $0x1  }
0xb6: {  	[sflag:s29] =	ssyncadd.s32 $0xFFFFFFFF  }
0xb7: {  	_ =	strace $0x90000048  }
0xb8: {  	_ =	sfence  }
0xb9: {  	s30 =	sld [smem:$0x0];
	_ =	sdelay $0x2  }
0xba: {  	s31 =	sshll.u32 s1, $0xD;
	s1 =	sshrl.u32 s1, $0x2  }
0xbb: {  	s3 =	sand.u32 $0x4000, s31;
	s1 =	sadd.s32 s1, s30  }
0xbc: {  	s0 =	sor.u32 s3, s0;
	s1 =	sshll.u32 s1, $0x11  }
0xbd: {  	s0 =	sor.u32 s1, s0  }
0xbe: {  	s0 =	sadd.s32 $0x8F2B, s0  }
0xbf: {  	[sflag:s0] =	ssyncadd.remote.s32 $0x1  }
0xc0: {  	_ =	sfence.sel $0xFFFF  }
0xc1: {  	[dreg:$0x0] =	wrdreg $0xFFFFFFFF;
	(pc) =	sbr.abs _section_cstart, $3  }
0xc2: {  	[dreg:$0x1] =	wrdreg $0xFFFFFFFF  }
0xc3: {  	_ =	task.clear_ibuf [dreg:s8], $0x2FFFF;
	_ =	strace $0x9FFFFFFF  }
0xc4: {  	(tm) =	ssettm $0x7FFFFFFF  }
0xc5: {  	_ =	shalt  }
tec
execute0_lowered:
.L_overlay_start_1:
0x0: {  	(tag) =	ssettag $0x1  }
0x1: {  	s1 =	rddreg [dreg:$0x0]  }
0x2: {  	s4 =	rddreg [dreg:$0x1]  }
0x3: {  	s5 =	rddreg [dreg:$0x2]  }
0x4: {  	s0 =	rddreg [dreg:$0x3];
	s3 =	simm.s32 $0x0;
	s6 =	srdreg.scid  }
0x5: {  	s2 =	stileid.u32;
	s10 =	simm.s32 $0x1080;
	s11 =	simm.s32 $0x1880  }
0x6: {  	s12 =	simm.s32 $0x1;
	[smem:$0x7FF] =	sst s3;
	s6 =	sand.u32 $0x1, s6  }
0x7: {  	s8 =	sshll.u32 s2, $0x6;
	s7 =	ssub.s32 $0x2, s6;
	s6 =	sshll.u32 s6, $0x5  }
0x8: {  	_ =	strace $0x80000047;
	s9 =	sshrl.u32 s7, $0x1;
	s6 =	sor.u32 s6, s8  }
0x9: {  	v2 =	vlaneseq.u32;
	s7 =	ssub.s32 s7, s9;
	s8 =	sshrl.u32 s6, $0x3;
	s6 =	sshll.u32 s6, $0x5  }
0xa: {  	vm0 =	vmmov $0xffff;
	v1 =	vshrl.u32 v2, $0x3;
	s9 =	simm.s32 $0x880;
	s4 =	sadd.s32 s4, s8;
	s5 =	sadd.s32 s5, s6  }
0xb: {  	v0 =	vand.u32 $0x7, v2;
	v2 =	vor.u32 $0x8, v2;
	v1 =	vmul.u32 $0x8, v1;
	s6 =	smax.u32 s7, $0x1;
	s7 =	simm.s32 $0x2;
	s8 =	simm.s32 $0x80  }
.LBB2_1:
0xc: {  	[tilespmem:s3], [sflag:$0x2] =	stream.linear.gather [hbm4b:s4+s3], $0x20, $0x38;
	[tilespmem:$0x2080] =	vst v63  }
0xd: {  	_ =	swait.ge [sflag:s7], $0x20  }
0xe: {  	[sflag:s7] =	ssyncset.done $0x0  }
0xf: {  	[sflag:s7] =	ssyncadd.s32 $0xFFFFFFE0  }
0x10: {  	v3 =	vld [tilespmem:$0x0];
	_ =	sdelay $0x4  }
0x11: {  	v4 =	vshll.u32 v3, $0x1  }
0x12: {  	v3 =	vand.u32 $0x7, v3;
	v4 =	vand.u32 $0xFFFFFFF0, v4  }
0x13: {  	v3 =	vor.u32 v3, v4  }
0x14: {  	v4 =	vperm.xlane v3, v0;
	_ =	sdelay $0x1  }
0x15: {  	v3 =	vperm.xlane v3, v2;
	v4 =	vadd.s32 v1, v4;
	_ =	sdelay $0x1  }
0x16: {  	v3 =	vadd.s32 v1, v3;
	_ =	sdelay $0x2  }
0x17: {  	[tilespmem:s8], [sflag:$0x1] =	stream.indirect_vreg.gather [hbm4b:s1+s3], $0x80, v4, vm0, $0xb8;
	[tilespmem:$0x2080] =	vst v63  }
0x18: {  	_ = 	snop  }
0x19: {  	[tilespmem:s9], [sflag:$0x1] =	stream.indirect_vreg.gather [hbm4b:s1+s3], $0x80, v3, vm0, $0xb8;
	[tilespmem:$0x2080] =	vst v63  }
0x1a: {  	v3 =	vld [tilespmem:$0x10];
	_ =	sdelay $0x4  }
0x1b: {  	v63 =	vshll.u32 v3, $0x1  }
0x1c: {  	v3 =	vand.u32 $0x7, v3;
	v4 =	vand.u32 $0xFFFFFFF0, v63  }
0x1d: {  	v3 =	vor.u32 v3, v4  }
0x1e: {  	v4 =	vperm.xlane v3, v0;
	_ =	sdelay $0x1  }
0x1f: {  	v3 =	vperm.xlane v3, v2;
	v4 =	vadd.s32 v1, v4;
	_ =	sdelay $0x1  }
0x20: {  	v3 =	vadd.s32 v1, v3;
	_ =	sdelay $0x2  }
0x21: {  	[tilespmem:s10], [sflag:$0x1] =	stream.indirect_vreg.gather [hbm4b:s1+s3], $0x80, v4, vm0, $0xb8;
	[tilespmem:$0x2080] =	vst v63  }
0x22: {  	_ = 	snop  }
0x23: {  	[tilespmem:s11], [sflag:$0x1] =	stream.indirect_vreg.gather [hbm4b:s1+s3], $0x80, v3, vm0, $0xb8;
	[tilespmem:$0x2080] =	vst v63  }
0x24: {  	_ =	swait.ge [sflag:s12], $0x2000  }
0x25: {  	p0 =	sne.s32 s6, $0x1;
	[sflag:s12] =	ssyncset.done $0x0  }
.Ltmp0:
0x26: {  	[sflag:s12] =	ssyncadd.s32 $0xFFFFE000;
	(pc) =	sbr.rel @p0 .LBB2_1-.Ltmp0, $4  }
0x27: {  	[hbm4b:s5+s3] =	stream.linear.scatter [tilespmem:s8], [sflag:$0x2], $0x2000, $0x38;
	[tilespmem:$0x2080] =	vst v63  }
0x28: {  	_ =	swait.ge [sflag:s7], $0x2000  }
0x29: {  	[sflag:s7] =	ssyncset.done $0x0  }
0x2a: {  	s6 =	sadd.s32 $0xFFFFFFFF, s6;
	[sflag:s7] =	ssyncadd.s32 $0xFFFFE000  }
0x2b: {  	_ =	sfence.sel $0x180000  }
0x2c: {  	[bflag:$0x0] =	sbarrier.arrive $0xFFFF  }
0x2d: {  	p0 =	sne.s32 s2, $0x0;
	_ =	strace $0x90000047  }
0x2e: {  	s0 =	sadd.s32 @!p0 $0x100000, s0;
	[bflag:$0x2] =	sbarrier.arrive $0xFFFF  }
0x2f: {  	[sflag:s0] =	ssyncadd.tile.s32 @!p0 $0x1;
	_ =	shalt  }
.Lfunc_end2:
_tile_overlayer_lowered:
.L_overlay_start_2:
0x30: {  	(tag) =	ssettag $0x2  }
0x31: {  	s0 =	rddreg [dreg:$0x0];
	s2 =	stileid.u32  }
0x32: {  	s1 =	rddreg [dreg:$0x1];
	p0 =	sne.s32 s2, $0x0  }
0x33: {  	s3 =	rddreg [dreg:$0x2];
	[bflag:$0x3] =	sbarrier.arrive $0xFFFF;
	s2 =	simm.s32 @!p0 $0x1C02  }
0x34: {  	[timem:s3], [sflag:s2] =	dma.local @!p0 [hbm:s0], s1  }
0x35: {  	s0 =	simm.s32 @!p0 $0x2  }
0x36: {  	_ =	swait.ge @!p0 [sflag:s0], s1  }
0x37: {  	s1 =	ssub.s32 @!p0 $0x0, s1;
	[sflag:s0] =	ssyncset.done @!p0 $0x0  }
0x38: {  	[sflag:s0] =	ssyncadd.s32 @!p0 s1  }
0x39: {  	[bflag:$0x3] =	sbarrier.arrive $0xFFFF  }
0x3a: {  	_ =	shalt  }

// kernel: kernel.8.cloned.1.call-start
scs
__scs_entry_jumppad:
0x0: {  	(pc) =	sbr.rel $0x88, $3  }
0x1: {  	(tag) =	ssettag $0x0;
	lr =	simm.s32 $0x1  }
0x2: {  	[smem:$0x3F9D] =	sst lr;
	_ =	strace $0xD0000000  }
0x3: {  	_ = 	snop  }
0x4: {  	_ = 	snop  }
0x5: {  	_ = 	snop  }
0x6: {  	_ = 	snop  }
0x7: {  	_ = 	snop  }
__scs_overlays_trampoline_lowered:
0x8: {  	[smem:$0x3FAC] =	sst s0  }
0x9: {  	[smem:$0x3FAD] =	sst s1  }
0xa: {  	[smem:$0x3FAE] =	sst s2  }
0xb: {  	[smem:$0x3FAF] =	sst s3  }
0xc: {  	[smem:$0x3FB0] =	sst s4  }
0xd: {  	[smem:$0x3FB1] =	sst s5  }
0xe: {  	[smem:$0x3FB2] =	sst s6  }
0xf: {  	[smem:$0x3FB3] =	sst s7  }
0x10: {  	[smem:$0x3FB4] =	sst s8  }
0x11: {  	[smem:$0x3FB5] =	sst s9;
	s0 =	simm.s32 @!p0 $0x0  }
0x12: {  	s1 =	sld [smem:$0x3F9B];
	s0 =	simm.s32 @p0 $0x1  }
0x13: {  	[smem:$0x3FB6] =	sst s0;
	s0 =	simm.s32 @!p1 $0x0  }
0x14: {  	s2 =	sld [smem:$0x3F9A];
	s0 =	simm.s32 @p1 $0x1  }
0x15: {  	[smem:$0x3FB7] =	sst s0;
	s0 =	simm.s32 @!p2 $0x0  }
0x16: {  	s3 =	sld [smem:$0x3FDB];
	s0 =	simm.s32 @p2 $0x1  }
0x17: {  	s4 =	simm.s32 $0x1BF5;
	[smem:$0x3FB9] =	sst s0  }
0x18: {  	s0 =	sld [smem:$0x3F9C];
	_ =	swait.ge [sflag:s4], $0x0  }
0x19: {  	s7 =	sld [smem:$0x3F9D]  }
0x1a: {  	s8 =	sadd.s32 $0xFFFFE003, lr  }
0x1b: {  	s9 =	sadd.s32 $0xFFFFFEF7, lr;
	s5 =	simm.s32 $0xFFFFFFFF;
	p2 =	slt.u32 s8, $0xFFFFF086  }
0x1c: {  	p1 =	slt.u32 s9, $0xF7A;
	s5 =	simm.s32 @!p2 $0x0  }
0x1d: {  	s5 =	simm.s32 @p1 $0x1;
	p0 =	seq.s32 s7, s2  }
0x1e: {  	s7 =	smul.u32 @!p0 $0xF7A, s2;
	p2 =	seq.s32 @!p0 s5, $0x0  }
0x1f: {  	s9 =	smul.u32 $0xF7A, s1;
	s8 =	simm.s32 @!p0 $0x1BF5;
	p2 =	por !p2, p0  }
0x20: {  	[sflag:s8] =	ssyncset.s32 @!p0 $0xFFFFF086;
	s6 =	sadd.s32 @!p0 s3, s7;
	s7 =	simm.s32 @!p0 $0x108  }
0x21: {  	s3 =	sadd.s32 s3, s9;
	s6 =	sadd.s32 @!p0 $0x88, s6;
	s7 =	simm.s32 @p2 $0x1082  }
0x22: {  	[simem:s7], [sflag:s8] =	dma.local @!p0 [hbm:s6], $0xF7A  }
0x23: {  	s9 =	sor.u32 $0xD0000000, s2;
	s6 =	simm.s32 $0x108;
	_ =	swait.ge @!p0 [sflag:s8], $0x0  }
0x24: {  	s3 =	sadd.s32 $0x88, s3;
	s6 =	simm.s32 @!p1 $0x1082;
	[sflag:s4] =	ssyncset.s32 $0xFFFFF086  }
0x25: {  	[simem:s6], [sflag:s4] =	dma.local [hbm:s3], $0xF7A  }
0x26: {  	[smem:$0x3F9D] =	sst s1;
	(tag) =	ssettag s2;
	_ =	strace s9  }
0x27: {  	s1 =	sld [smem:$0x3FAD]  }
0x28: {  	s2 =	sld [smem:$0x3FAE]  }
0x29: {  	s4 =	sld [smem:$0x3FB0]  }
0x2a: {  	p0 =	seq.s32 s5, $0x0;
	s5 =	sld [smem:$0x3FB1]  }
0x2b: {  	s6 =	sld [smem:$0x3FB2]  }
0x2c: {  	s7 =	sld [smem:$0x3FB3]  }
0x2d: {  	s3 =	simm.s32 $0x108;
	s8 =	sld [smem:$0x3FB4]  }
0x2e: {  	s3 =	simm.s32 @!p0 $0x1082;
	s9 =	sld [smem:$0x3FB5]  }
0x2f: {  	lr =	sadd.s32 s0, s3;
	s0 =	sld [smem:$0x3FAC]  }
0x30: {  	s3 =	sld [smem:$0x3FAF]  }
0x31: {  	[smem:$0x3FB8] =	sst s10  }
0x32: {  	s10 =	sld [smem:$0x3FB6];
	_ =	sdelay $0x3  }
0x33: {  	p0 =	seq.s32 s10, $0x1;
	s10 =	sld [smem:$0x3FB8];
	_ =	sdelay $0x3  }
0x34: {  	[smem:$0x3FB8] =	sst s10  }
0x35: {  	s10 =	sld [smem:$0x3FB7];
	_ =	sdelay $0x3  }
0x36: {  	p1 =	seq.s32 s10, $0x1;
	s10 =	sld [smem:$0x3FB8];
	_ =	sdelay $0x3  }
0x37: {  	[smem:$0x3FB8] =	sst s10  }
0x38: {  	s10 =	sld [smem:$0x3FB9]  }
0x39: {  	_ = 	snop;
	(pc) =	sbr.ind lr, $3  }
0x3a: {  	_ = 	snop  }
0x3b: {  	_ = 	snop  }
0x3c: {  	p2 =	seq.s32 s10, $0x1;
	s10 =	sld [smem:$0x3FB8]  }
0x3d: {  	_ =	shalt  }
0x3e: {  	_ =	shalt  }
0x3f: {  	_ =	shalt  }
0x40: {  	_ =	shalt  }
0x41: {  	_ =	shalt  }
0x42: {  	_ =	shalt  }
0x43: {  	_ =	shalt  }
0x44: {  	_ =	shalt  }
0x45: {  	_ =	shalt  }
0x46: {  	_ =	shalt  }
0x47: {  	_ =	shalt  }
0x48: {  	_ =	shalt  }
0x49: {  	_ =	shalt  }
0x4a: {  	_ =	shalt  }
0x4b: {  	_ =	shalt  }
0x4c: {  	_ =	shalt  }
0x4d: {  	_ =	shalt  }
0x4e: {  	_ =	shalt  }
0x4f: {  	_ =	shalt  }
0x50: {  	_ =	shalt  }
0x51: {  	_ =	shalt  }
0x52: {  	_ =	shalt  }
0x53: {  	_ =	shalt  }
0x54: {  	_ =	shalt  }
0x55: {  	_ =	shalt  }
0x56: {  	_ =	shalt  }
0x57: {  	_ =	shalt  }
0x58: {  	_ =	shalt  }
0x59: {  	_ =	shalt  }
0x5a: {  	_ =	shalt  }
0x5b: {  	_ =	shalt  }
0x5c: {  	_ =	shalt  }
0x5d: {  	_ =	shalt  }
0x5e: {  	_ =	shalt  }
0x5f: {  	_ =	shalt  }
0x60: {  	_ =	shalt  }
0x61: {  	_ =	shalt  }
0x62: {  	_ =	shalt  }
0x63: {  	_ =	shalt  }
0x64: {  	_ =	shalt  }
0x65: {  	_ =	shalt  }
0x66: {  	_ =	shalt  }
0x67: {  	_ =	shalt  }
0x68: {  	_ =	shalt  }
0x69: {  	_ =	shalt  }
0x6a: {  	_ =	shalt  }
0x6b: {  	_ =	shalt  }
0x6c: {  	_ =	shalt  }
0x6d: {  	_ =	shalt  }
0x6e: {  	_ =	shalt  }
0x6f: {  	_ =	shalt  }
0x70: {  	_ =	shalt  }
0x71: {  	_ =	shalt  }
0x72: {  	_ =	shalt  }
0x73: {  	_ =	shalt  }
0x74: {  	_ =	shalt  }
0x75: {  	_ =	shalt  }
0x76: {  	_ =	shalt  }
0x77: {  	_ =	shalt  }
0x78: {  	_ =	shalt  }
0x79: {  	_ =	shalt  }
0x7a: {  	_ =	shalt  }
0x7b: {  	_ =	shalt  }
0x7c: {  	_ =	shalt  }
0x7d: {  	_ =	shalt  }
0x7e: {  	_ =	shalt  }
0x7f: {  	_ =	shalt  }
0x80: {  	_ =	shalt  }
0x81: {  	_ =	shalt  }
0x82: {  	_ =	shalt  }
0x83: {  	_ =	shalt  }
0x84: {  	_ =	shalt  }
0x85: {  	_ =	shalt  }
0x86: {  	_ =	shalt  }
0x87: {  	_ =	shalt  }
.Lfunc_end0:
.L_simem_size_0:
called_computation.1_lowered:
.L_overlay_start_0:
0x88: {  	s2 =	sld [smem:$0x3FD9]  }
0x89: {  	s3 =	sld [smem:$0x3FFE];
	_ =	sdelay $0x1  }
0x8a: {  	s1 =	srdreg.scid  }
0x8b: {  	s0 =	sand.u32 $0x1, s1  }
0x8c: {  	s14 =	sshll.u32 s0, $0xA;
	s2 =	sadd.s32 s3, s2  }
0x8d: {  	s2 =	sadd.s32 s2, s14  }
0x8e: {  	[smem:$0x3FC4] =	sst s2  }
0x8f: {  	_ = 	snop  }
0x90: {  	s2 =	sld [smem:$0x3FD0];
	_ =	sdelay $0x2  }
0x91: {  	s4 =	simm.s32 $0xA;
	s5 =	simm.s32 $0x10;
	s15 =	sld [smem:$0x3FC8]  }
0x92: {  	[smem:s5], [sflag:s4] =	dma.local [hbm:s2], $0x1  }
0x93: {  	_ =	swait.eq [sflag:s4], $0x1  }
0x94: {  	[sflag:s4] =	ssyncset.done $0x0  }
0x95: {  	[sflag:s4] =	ssyncadd.s32 $0xFFFFFFFF  }
0x96: {  	s16 =	sld [smem:$0x11];
	(tm) =	ssettm $0x1  }
0x97: {  	s17 =	sld [smem:$0x3FFB];
	_ =	sdelay $0x3  }
0x98: {  	_ =	strace s17  }
0x99: {  	s4 =	sld [smem:$0x3FFC];
	_ =	sdelay $0x3  }
0x9a: {  	_ =	strace s4  }
0x9b: {  	s4 =	sld [smem:$0x3FFD];
	_ =	sdelay $0x3  }
0x9c: {  	_ =	strace s4  }
0x9d: {  	_ =	strace $0x8FFFFFFF  }
0x9e: {  	s18 =	sld [smem:$0x3FDB];
	_ =	sdelay $0x1  }
0x9f: {  	s19 =	simm.s32 $_scs_section_size  }
0xa0: {  	s6 =	simm.s32 $_size__tile_overlayer_lowered;
	s7 =	simm.s32 $_tile_overlayer_lowered  }
0xa1: {  	s22 =	simm.s32 $0x1BFF;
	s21 =	sshll.u32 s7, $0x1;
	s4 =	sadd.s32 s19, s18  }
0xa2: {  	s8 =	simm.s32 $0x0;
	s20 =	sshll.u32 s6, $0x1;
	s6 =	sadd.s32 s21, s4  }
0xa3: {  	[timem:s8], [sflag:s22] =	dma.local [hbm:s6], s20  }
0xa4: {  	_ =	swait.ge [sflag:s22], s20  }
0xa5: {  	s5 =	ssub.s32 $0x0, s20;
	[sflag:s22] =	ssyncset.done $0x0  }
0xa6: {  	[sflag:s22] =	ssyncadd.s32 s5;
	_ =	sdelay $0x1  }
0xa7: {  	s23 =	simm.s32 $0x1B8B  }
0xa8: {  	_ =	swait.ge [sflag:s23], $0x1  }
0xa9: {  	[sflag:s23] =	ssyncset.done $0x0  }
0xaa: {  	s25 =	simm.s32 $0x1B8E;
	s24 =	sld [smem:$0x3FFE];
	[sflag:s23] =	ssyncadd.s32 $0xFFFFFFFF  }
0xab: {  	s26 =	simm.s32 $execute0_lowered;
	[smem:$0x3FD2] =	sst s25  }
0xac: {  	s6 =	sshll.u32 s26, $0x1;
	_ =	strace $0x80000049;
	[dreg:$0x1] =	wrdreg $0xFFFFFFFF  }
0xad: {  	s28 =	simm.s32 $_size_execute0_lowered;
	s4 =	sadd.s32 s4, s6;
	[dreg:$0x0] =	wrdreg $0x0  }
0xae: {  	s6 =	sshll.u32 s28, $0x1;
	[dreg:$0x2] =	wrdreg s4  }
0xaf: {  	[dreg:$0x3] =	wrdreg s6  }
0xb0: {  	[dreg:$0x4] =	wrdreg $0xC0  }
0xb1: {  	_ =	task [dreg:s8], $0x5FFFF  }
0xb2: {  	[dreg:$0x1] =	wrdreg $0xFFFFFFFF  }
0xb3: {  	[dreg:$0x0] =	wrdreg $0x60  }
0xb4: {  	[dreg:$0x2] =	wrdreg s24  }
0xb5: {  	[dreg:$0x3] =	wrdreg s15  }
0xb6: {  	[dreg:$0x4] =	wrdreg s16  }
0xb7: {  	[dreg:$0x5] =	wrdreg $0x9  }
0xb8: {  	_ =	task.clear_ibuf [dreg:s8], $0x6FFFF;
	_ =	strace $0x90000049  }
0xb9: {  	s29 =	simm.s32 $0x9;
	_ =	strace $0x8000004B  }
0xba: {  	_ =	swait.ge [sflag:s29], $0x1  }
0xbb: {  	[sflag:s29] =	ssyncadd.s32 $0xFFFFFFFF  }
0xbc: {  	_ =	strace $0x9000004B  }
0xbd: {  	_ =	sfence  }
0xbe: {  	s30 =	sld [smem:$0x0];
	_ =	sdelay $0x2  }
0xbf: {  	s31 =	sshll.u32 s1, $0xD;
	s1 =	sshrl.u32 s1, $0x2  }
0xc0: {  	s3 =	sand.u32 $0x4000, s31;
	s1 =	sadd.s32 s1, s30  }
0xc1: {  	s0 =	sor.u32 s3, s0;
	s1 =	sshll.u32 s1, $0x11  }
0xc2: {  	s0 =	sor.u32 s1, s0  }
0xc3: {  	s0 =	sadd.s32 $0x8F2B, s0  }
0xc4: {  	[sflag:s0] =	ssyncadd.remote.s32 $0x1  }
0xc5: {  	_ =	sfence.sel $0xFFFF  }
0xc6: {  	[dreg:$0x0] =	wrdreg $0xFFFFFFFF;
	(pc) =	sbr.abs _section_cstart, $3  }
0xc7: {  	[dreg:$0x1] =	wrdreg $0xFFFFFFFF  }
0xc8: {  	_ =	task.clear_ibuf [dreg:s8], $0x2FFFF;
	_ =	strace $0x9FFFFFFF  }
0xc9: {  	(tm) =	ssettm $0x7FFFFFFF  }
tec
execute0_lowered:
.L_overlay_start_1:
0x0: {  	(tag) =	ssettag $0x1  }
0x1: {  	s4 =	rddreg [dreg:$0x0]  }
0x2: {  	s6 =	rddreg [dreg:$0x1]  }
0x3: {  	s2 =	rddreg [dreg:$0x2];
	s3 =	srdreg.scid  }
0x4: {  	s0 =	rddreg [dreg:$0x3];
	s1 =	stileid.u32;
	s10 =	simm.s32 $0x100  }
0x5: {  	s11 =	simm.s32 $0x900;
	s12 =	simm.s32 $0x1100;
	s13 =	simm.s32 $0x1900  }
0x6: {  	s14 =	simm.s32 $0x1;
	s5 =	sand.u32 $0x1, s3;
	s3 =	simm.s32 $0x0  }
0x7: {  	s7 =	sshll.u32 s1, $0x3;
	s8 =	sshll.u32 s5, $0x2;
	[smem:$0x7FF] =	sst s3  }
0x8: {  	s5 =	ssub.s32 $0x2, s5;
	s7 =	sor.u32 s8, s7;
	_ =	strace $0x8000004A  }
0x9: {  	v2 =	vlaneseq.u32;
	s9 =	sshrl.u32 s5, $0x1;
	s8 =	sadd.s32 s7, s4;
	s4 =	sadd.s32 $0x8200, s4  }
0xa: {  	vm0 =	vmmov $0xffff;
	v1 =	vshrl.u32 v2, $0x3;
	s9 =	ssub.s32 s5, s9;
	s6 =	sadd.s32 s6, s7;
	s5 =	sadd.s32 $0x8000, s8  }
0xb: {  	v0 =	vand.u32 $0x7, v2;
	v2 =	vor.u32 $0x8, v2;
	v1 =	vmul.u32 $0x8, v1;
	s7 =	smax.u32 s9, $0x1;
	s8 =	simm.s32 $0x2;
	s9 =	simm.s32 $0x80  }
.LBB2_1:
0xc: {  	[tilespmem:s3], [sflag:$0x2] =	stream.linear.gather [hbm4b:s5+s3], $0x20, $0x38;
	[tilespmem:$0x2100] =	vst v63  }
0xd: {  	_ =	swait.ge [sflag:s8], $0x20  }
0xe: {  	[sflag:s8] =	ssyncset.done $0x0  }
0xf: {  	[sflag:s8] =	ssyncadd.s32 $0xFFFFFFE0  }
0x10: {  	[tilespmem:s9], [sflag:$0x2] =	stream.linear.gather [hbm4b:s6+s3], $0x20, $0x38;
	[tilespmem:$0x2100] =	vst v63  }
0x11: {  	_ =	swait.ge [sflag:s8], $0x20  }
0x12: {  	[sflag:s8] =	ssyncset.done $0x0  }
0x13: {  	[sflag:s8] =	ssyncadd.s32 $0xFFFFFFE0  }
0x14: {  	v3 =	vld [tilespmem:$0x0];
	_ =	sdelay $0x4  }
0x15: {  	v4 =	vshll.u32 v3, $0x1  }
0x16: {  	v3 =	vand.u32 $0x7, v3;
	v4 =	vand.u32 $0xFFFFFFF0, v4  }
0x17: {  	v3 =	vor.u32 v3, v4  }
0x18: {  	v4 =	vperm.xlane v3, v0;
	_ =	sdelay $0x1  }
0x19: {  	v3 =	vperm.xlane v3, v2;
	v4 =	vadd.s32 v1, v4;
	_ =	sdelay $0x1  }
0x1a: {  	v3 =	vadd.s32 v1, v3;
	_ =	sdelay $0x2  }
0x1b: {  	[tilespmem:s10], [sflag:$0x1] =	stream.indirect_vreg.gather [hbm4b:s4+s3], $0x80, v4, vm0, $0xb8;
	[tilespmem:$0x2100] =	vst v63  }
0x1c: {  	_ = 	snop  }
0x1d: {  	[tilespmem:s11], [sflag:$0x1] =	stream.indirect_vreg.gather [hbm4b:s4+s3], $0x80, v3, vm0, $0xb8;
	[tilespmem:$0x2100] =	vst v63  }
0x1e: {  	v3 =	vld [tilespmem:$0x10];
	_ =	sdelay $0x4  }
0x1f: {  	v61 =	vshll.u32 v3, $0x1  }
0x20: {  	v3 =	vand.u32 $0x7, v3;
	v4 =	vand.u32 $0xFFFFFFF0, v61  }
0x21: {  	v3 =	vor.u32 v3, v4  }
0x22: {  	v4 =	vperm.xlane v3, v0;
	_ =	sdelay $0x1  }
0x23: {  	v3 =	vperm.xlane v3, v2;
	v4 =	vadd.s32 v1, v4;
	_ =	sdelay $0x1  }
0x24: {  	v3 =	vadd.s32 v1, v3;
	_ =	sdelay $0x2  }
0x25: {  	[tilespmem:s12], [sflag:$0x1] =	stream.indirect_vreg.gather [hbm4b:s4+s3], $0x80, v4, vm0, $0xb8;
	[tilespmem:$0x2100] =	vst v63  }
0x26: {  	_ = 	snop  }
0x27: {  	[tilespmem:s13], [sflag:$0x1] =	stream.indirect_vreg.gather [hbm4b:s4+s3], $0x80, v3, vm0, $0xb8;
	[tilespmem:$0x2100] =	vst v63  }
0x28: {  	_ =	swait.ge [sflag:s14], $0x2000  }
0x29: {  	[sflag:s14] =	ssyncset.done $0x0  }
0x2a: {  	[sflag:s14] =	ssyncadd.s32 $0xFFFFE000  }
0x2b: {  	v3 =	vld [tilespmem:$0x80];
	_ =	sdelay $0x4  }
0x2c: {  	v62 =	vshll.u32 v3, $0x1  }
0x2d: {  	v3 =	vand.u32 $0x7, v3;
	v4 =	vand.u32 $0xFFFFFFF0, v62  }
0x2e: {  	v3 =	vor.u32 v3, v4  }
0x2f: {  	v4 =	vperm.xlane v3, v0;
	_ =	sdelay $0x1  }
0x30: {  	v3 =	vperm.xlane v3, v2;
	v4 =	vadd.s32 v1, v4;
	_ =	sdelay $0x1  }
0x31: {  	v3 =	vadd.s32 v1, v3;
	_ =	sdelay $0x2  }
0x32: {  	[hbm4b:s2+s3] =	stream.indirect_vreg.scatter [tilespmem:s10], [sflag:$0x1], $0x80, v4, vm0, $0xb8;
	[tilespmem:$0x2100] =	vst v63  }
0x33: {  	_ = 	snop  }
0x34: {  	[hbm4b:s2+s3] =	stream.indirect_vreg.scatter [tilespmem:s11], [sflag:$0x1], $0x80, v3, vm0, $0xb8;
	[tilespmem:$0x2100] =	vst v63  }
0x35: {  	v3 =	vld [tilespmem:$0x90];
	_ =	sdelay $0x4  }
0x36: {  	v63 =	vshll.u32 v3, $0x1  }
0x37: {  	v3 =	vand.u32 $0x7, v3;
	v4 =	vand.u32 $0xFFFFFFF0, v63  }
0x38: {  	v3 =	vor.u32 v3, v4  }
0x39: {  	v4 =	vperm.xlane v3, v0;
	_ =	sdelay $0x1  }
0x3a: {  	v3 =	vperm.xlane v3, v2;
	v4 =	vadd.s32 v1, v4;
	_ =	sdelay $0x1  }
0x3b: {  	v3 =	vadd.s32 v1, v3;
	_ =	sdelay $0x1  }
0x3c: {  	p0 =	sne.s32 s7, $0x1  }
0x3d: {  	[hbm4b:s2+s3] =	stream.indirect_vreg.scatter [tilespmem:s12], [sflag:$0x1], $0x80, v4, vm0, $0xb8;
	[tilespmem:$0x2100] =	vst v63  }
.Ltmp0:
0x3e: {  	_ = 	snop;
	(pc) =	sbr.rel @p0 .LBB2_1-.Ltmp0, $4  }
0x3f: {  	[hbm4b:s2+s3] =	stream.indirect_vreg.scatter [tilespmem:s13], [sflag:$0x1], $0x80, v3, vm0, $0xb8;
	[tilespmem:$0x2100] =	vst v63  }
0x40: {  	_ =	swait.ge [sflag:s14], $0x2000  }
0x41: {  	[sflag:s14] =	ssyncset.done $0x0  }
0x42: {  	s7 =	sadd.s32 $0xFFFFFFFF, s7;
	[sflag:s14] =	ssyncadd.s32 $0xFFFFE000  }
0x43: {  	_ =	sfence.sel $0x180000  }
0x44: {  	[bflag:$0x0] =	sbarrier.arrive $0xFFFF  }
0x45: {  	p0 =	sne.s32 s1, $0x0;
	_ =	strace $0x9000004A  }
0x46: {  	s0 =	sadd.s32 @!p0 $0x100000, s0;
	[bflag:$0x2] =	sbarrier.arrive $0xFFFF  }
0x47: {  	[sflag:s0] =	ssyncadd.tile.s32 @!p0 $0x1;
	_ =	shalt  }
.Lfunc_end2:
_tile_overlayer_lowered:
.L_overlay_start_2:
0x48: {  	(tag) =	ssettag $0x2  }
0x49: {  	s0 =	rddreg [dreg:$0x0];
	s2 =	stileid.u32  }
0x4a: {  	s1 =	rddreg [dreg:$0x1];
	p0 =	sne.s32 s2, $0x0  }
0x4b: {  	s3 =	rddreg [dreg:$0x2];
	[bflag:$0x3] =	sbarrier.arrive $0xFFFF;
	s2 =	simm.s32 @!p0 $0x1C02  }
0x4c: {  	[timem:s3], [sflag:s2] =	dma.local @!p0 [hbm:s0], s1  }
0x4d: {  	s0 =	simm.s32 @!p0 $0x2  }
0x4e: {  	_ =	swait.ge @!p0 [sflag:s0], s1  }
0x4f: {  	s1 =	ssub.s32 @!p0 $0x0, s1;
	[sflag:s0] =	ssyncset.done @!p0 $0x0  }
0x50: {  	[sflag:s0] =	ssyncadd.s32 @!p0 s1  }
0x51: {  	[bflag:$0x3] =	sbarrier.arrive $0xFFFF  }
0x52: {  	_ =	shalt  }

</sc_bundles>
